<compile_context>
chip_gen: v7x
topology: tpu7x:2x2x1
jax: 0.10.2.dev20260603
libtpu: 0.0.44.dev20260713+nightly
codegen_flags: <defaults>
</compile_context>

<pallas_src>
import functools

import jax
import jax.numpy as jnp
from jax import lax
from jax.experimental import pallas as pl
from jax.experimental.pallas import tpu as pltpu
from jax.experimental.pallas import tpu_sc as plsc

_D1 = 64
_D2 = 64
_M = _D1 + _D2
_DIM = _M * (_M + 1) // 2
_B = 16

_NS = 16
_RUNS_PER_W = _D1 // _NS
_LAST_RUN_END = _D2 + (_M - 1) * (_D1 - 1) - (_D1 - 1) * (_D1 - 2) // 2 + _D2
_TAIL_BLOCKS = -(-(_DIM - _LAST_RUN_END) // _D2)
_TAIL_PER_W = -(-_TAIL_BLOCKS // _NS)


def _s_of(i):
    return _D2 + (_M - 1) * i - (i * (i - 1)) // 2


@functools.cache
def _runcopy_kernel():
    mesh = plsc.VectorSubcoreMesh(
        core_axis_name="c", subcore_axis_name="s", num_cores=1
    )

    @functools.partial(
        pl.kernel,
        mesh=mesh,
        compiler_params=pltpu.CompilerParams(use_tc_tiling_on_sc=False),
        out_type=jax.ShapeDtypeStruct((_DIM, _B), jnp.float32),
        scratch_types=[
            pltpu.VMEM((_D2, _B), jnp.float32),
            pltpu.SemaphoreType.DMA,
        ],
    )
    def _body(x_hbm, out_hbm, zbuf_v, sem):
        wid = lax.axis_index("s")

        zero = jnp.zeros((_B,), jnp.float32)
        for j in range(_D2):
            zbuf_v[j] = zero

        zero_copies = []
        for k in range(_RUNS_PER_W):
            i = wid * _RUNS_PER_W + k
            zero_copies.append(
                pltpu.async_copy(
                    zbuf_v, out_hbm.at[pl.ds(_s_of(i) + _D2, _D2)], sem
                )
            )
        for k in range(_TAIL_PER_W):
            t = wid * _TAIL_PER_W + k
            off = jnp.minimum(_LAST_RUN_END + _D2 * t, _DIM - _D2)
            zero_copies.append(
                pltpu.async_copy(zbuf_v, out_hbm.at[pl.ds(off, _D2)], sem)
            )

        @pl.when(wid == 0)
        def _head_block():
            pltpu.sync_copy(zbuf_v, out_hbm.at[pl.ds(0, _D2)])

        for c in zero_copies:
            c.wait()
        plsc.subcore_barrier()

        run_copies = []
        for k in range(_RUNS_PER_W):
            i = wid * _RUNS_PER_W + k
            run_copies.append(
                pltpu.async_copy(
                    x_hbm.at[pl.ds(i * _D2, _D2)],
                    out_hbm.at[pl.ds(_s_of(i), _D2)],
                    sem,
                )
            )
        for c in run_copies:
            c.wait()

    return _body


def kernel(input_state, Passage_matrix):
    del Passage_matrix
    return _runcopy_kernel()(input_state)

# --- scband reference (transcript-rebuilt; emitter-appended) ---
"""Pipeline reference for scband-basis-change-image-to-fock-state-vector-37709812859569 (READ-ONLY COPY).

The authoritative reference and input builder live on the scoring server;
editing this copy changes nothing except your own understanding.
"""

import jax, jax.numpy as jnp
import numpy as np

D1 = 64
D2 = 64
BATCH = 16


def _passage_matrix(d1, d2):
    """Build the Image->Fock passage matrix.

    The Fock basis for 2 photons in m modes is enumerated recursively with
    descending occupation of the first mode (standard photon-basis ordering):
    the state with single photons at modes a < b has index
        idx = a*m - a*(a-1)//2 + (b - a)
    and the total dimension is hilbert_dim(m, 2) = m*(m+1)//2.
    This reproduces Basis_dictionary_Image_to_Fock / Passage_matrix_Image_Fock
    analytically (each column of the passage matrix has a single 1).
    """
    m = d1 + d2
    dim = m * (m + 1) // 2
    P = np.zeros((dim, d1 * d2), dtype=np.uint8)
    for i in range(d1):
        for j in range(d2):
            a = i
            b = d1 + j
            idx = a * m - a * (a - 1) // 2 + (b - a)
            P[idx, i * d2 + j] = 1
    return P


def setup_inputs(seed: int = 0) -> dict:
    key = jax.random.key(seed)
    input_state = jax.random.normal(key, (D1 * D2, BATCH), dtype=jnp.float32)
    Passage_matrix = jnp.asarray(_passage_matrix(D1, D2))  # uint8 [8256, 4096]
    return {"input_state": input_state, "Passage_matrix": Passage_matrix}


def reference(input_state, Passage_matrix):
    # Faithful translation: self.Passage_matrix.to(torch.float32) @ input_state
    return Passage_matrix.astype(jnp.float32) @ input_state

if __name__ == "__main__":
    import jax
    _d = setup_inputs()
    print(jax.jit(kernel)(*tuple(_d.values())))

</pallas_src>

<mosaic_0001>
#map = affine_map<(d0, d1) -> (0, 0)>
module attributes {stable_mosaic.version = 14 : i64} {
  func.func @_body(%arg0: i32, %arg1: i32, %arg2: memref<4096x16xf32, #tpu.memory_space<hbm>>, %arg3: memref<8256x16xf32, #tpu.memory_space<hbm>>, %arg4: memref<64x16xf32, #tpu.memory_space<vmem>>, %arg5: memref<!tpu.dma_semaphore, #tpu.memory_space<semaphore_mem>>) attributes {dimension_semantics = [#tpu.dimension_semantics<core_parallel>, #tpu.dimension_semantics<subcore_parallel>], iteration_bounds = array<i64: 1, 16>, scalar_prefetch = 0 : i64, scratch_operands = 2 : i64, tpu.core_type = #tpu.core_type<sc_vector_subcore>, window_params = [{transform_indices = #map}, {transform_indices = #map}]} {
    %broadcast_in_dim3A = arith.constant 0.000000e+00 : f32
    %broadcast_in_dim3A_0 = vector.broadcast %broadcast_in_dim3A : f32 to vector<16xf32>
    %swap3A = arith.constant 0 : i32
    %swap3A_1 = arith.index_cast %swap3A : i32 to index
    %swap3A_2 = arith.constant 0 : index
    %swap3A_3 = tpu.vector_load %arg4[%swap3A_1, %swap3A_2] {strides = array<i32>} : memref<64x16xf32, #tpu.memory_space<vmem>>, vector<1x16xf32>,
    %swap3A_4 = vector.shape_cast %swap3A_3 : vector<1x16xf32> to vector<16xf32>
    %swap3A_5 = vector.shape_cast %broadcast_in_dim3A_0 : vector<16xf32> to vector<1x16xf32>
    tpu.vector_store %arg4[%swap3A_1, %swap3A_2], %swap3A_5 {strides = array<i32>} : memref<64x16xf32, #tpu.memory_space<vmem>>, vector<1x16xf32>,
    %swap3A_6 = arith.constant 1 : i32
    %swap3A_7 = arith.index_cast %swap3A_6 : i32 to index
    %swap3A_8 = arith.constant 0 : index
    %swap3A_9 = tpu.vector_load %arg4[%swap3A_7, %swap3A_8] {strides = array<i32>} : memref<64x16xf32, #tpu.memory_space<vmem>>, vector<1x16xf32>,
    %swap3A_10 = vector.shape_cast %swap3A_9 : vector<1x16xf32> to vector<16xf32>
    %swap3A_11 = vector.shape_cast %broadcast_in_dim3A_0 : vector<16xf32> to vector<1x16xf32>
    tpu.vector_store %arg4[%swap3A_7, %swap3A_8], %swap3A_11 {strides = array<i32>} : memref<64x16xf32, #tpu.memory_space<vmem>>, vector<1x16xf32>,
    %swap3A_12 = arith.constant 2 : i32
    %swap3A_13 = arith.index_cast %swap3A_12 : i32 to index
    %swap3A_14 = arith.constant 0 : index
    %swap3A_15 = tpu.vector_load %arg4[%swap3A_13, %swap3A_14] {strides = array<i32>} : memref<64x16xf32, #tpu.memory_space<vmem>>, vector<1x16xf32>,
    %swap3A_16 = vector.shape_cast %swap3A_15 : vector<1x16xf32> to vector<16xf32>
    %swap3A_17 = vector.shape_cast %broadcast_in_dim3A_0 : vector<16xf32> to vector<1x16xf32>
    tpu.vector_store %arg4[%swap3A_13, %swap3A_14], %swap3A_17 {strides = array<i32>} : memref<64x16xf32, #tpu.memory_space<vmem>>, vector<1x16xf32>,
    %swap3A_18 = arith.constant 3 : i32
    %swap3A_19 = arith.index_cast %swap3A_18 : i32 to index
    %swap3A_20 = arith.constant 0 : index
    %swap3A_21 = tpu.vector_load %arg4[%swap3A_19, %swap3A_20] {strides = array<i32>} : memref<64x16xf32, #tpu.memory_space<vmem>>, vector<1x16xf32>,
    %swap3A_22 = vector.shape_cast %swap3A_21 : vector<1x16xf32> to vector<16xf32>
    %swap3A_23 = vector.shape_cast %broadcast_in_dim3A_0 : vector<16xf32> to vector<1x16xf32>
    tpu.vector_store %arg4[%swap3A_19, %swap3A_20], %swap3A_23 {strides = array<i32>} : memref<64x16xf32, #tpu.memory_space<vmem>>, vector<1x16xf32>,
    %swap3A_24 = arith.constant 4 : i32
    %swap3A_25 = arith.index_cast %swap3A_24 : i32 to index
    %swap3A_26 = arith.constant 0 : index
    %swap3A_27 = tpu.vector_load %arg4[%swap3A_25, %swap3A_26] {strides = array<i32>} : memref<64x16xf32, #tpu.memory_space<vmem>>, vector<1x16xf32>,
    %swap3A_28 = vector.shape_cast %swap3A_27 : vector<1x16xf32> to vector<16xf32>
    %swap3A_29 = vector.shape_cast %broadcast_in_dim3A_0 : vector<16xf32> to vector<1x16xf32>
    tpu.vector_store %arg4[%swap3A_25, %swap3A_26], %swap3A_29 {strides = array<i32>} : memref<64x16xf32, #tpu.memory_space<vmem>>, vector<1x16xf32>,
    %swap3A_30 = arith.constant 5 : i32
    %swap3A_31 = arith.index_cast %swap3A_30 : i32 to index
    %swap3A_32 = arith.constant 0 : index
    %swap3A_33 = tpu.vector_load %arg4[%swap3A_31, %swap3A_32] {strides = array<i32>} : memref<64x16xf32, #tpu.memory_space<vmem>>, vector<1x16xf32>,
    %swap3A_34 = vector.shape_cast %swap3A_33 : vector<1x16xf32> to vector<16xf32>
    %swap3A_35 = vector.shape_cast %broadcast_in_dim3A_0 : vector<16xf32> to vector<1x16xf32>
    tpu.vector_store %arg4[%swap3A_31, %swap3A_32], %swap3A_35 {strides = array<i32>} : memref<64x16xf32, #tpu.memory_space<vmem>>, vector<1x16xf32>,
    %swap3A_36 = arith.constant 6 : i32
    %swap3A_37 = arith.index_cast %swap3A_36 : i32 to index
    %swap3A_38 = arith.constant 0 : index
    %swap3A_39 = tpu.vector_load %arg4[%swap3A_37, %swap3A_38] {strides = array<i32>} : memref<64x16xf32, #tpu.memory_space<vmem>>, vector<1x16xf32>,
    %swap3A_40 = vector.shape_cast %swap3A_39 : vector<1x16xf32> to vector<16xf32>
    %swap3A_41 = vector.shape_cast %broadcast_in_dim3A_0 : vector<16xf32> to vector<1x16xf32>
    tpu.vector_store %arg4[%swap3A_37, %swap3A_38], %swap3A_41 {strides = array<i32>} : memref<64x16xf32, #tpu.memory_space<vmem>>, vector<1x16xf32>,
    %swap3A_42 = arith.constant 7 : i32
    %swap3A_43 = arith.index_cast %swap3A_42 : i32 to index
    %swap3A_44 = arith.constant 0 : index
    %swap3A_45 = tpu.vector_load %arg4[%swap3A_43, %swap3A_44] {strides = array<i32>} : memref<64x16xf32, #tpu.memory_space<vmem>>, vector<1x16xf32>,
    %swap3A_46 = vector.shape_cast %swap3A_45 : vector<1x16xf32> to vector<16xf32>
    %swap3A_47 = vector.shape_cast %broadcast_in_dim3A_0 : vector<16xf32> to vector<1x16xf32>
    tpu.vector_store %arg4[%swap3A_43, %swap3A_44], %swap3A_47 {strides = array<i32>} : memref<64x16xf32, #tpu.memory_space<vmem>>, vector<1x16xf32>,
    %swap3A_48 = arith.constant 8 : i32
    %swap3A_49 = arith.index_cast %swap3A_48 : i32 to index
    %swap3A_50 = arith.constant 0 : index
    %swap3A_51 = tpu.vector_load %arg4[%swap3A_49, %swap3A_50] {strides = array<i32>} : memref<64x16xf32, #tpu.memory_space<vmem>>, vector<1x16xf32>,
    %swap3A_52 = vector.shape_cast %swap3A_51 : vector<1x16xf32> to vector<16xf32>
    %swap3A_53 = vector.shape_cast %broadcast_in_dim3A_0 : vector<16xf32> to vector<1x16xf32>
    tpu.vector_store %arg4[%swap3A_49, %swap3A_50], %swap3A_53 {strides = array<i32>} : memref<64x16xf32, #tpu.memory_space<vmem>>, vector<1x16xf32>,
    %swap3A_54 = arith.constant 9 : i32
    %swap3A_55 = arith.index_cast %swap3A_54 : i32 to index
    %swap3A_56 = arith.constant 0 : index
    %swap3A_57 = tpu.vector_load %arg4[%swap3A_55, %swap3A_56] {strides = array<i32>} : memref<64x16xf32, #tpu.memory_space<vmem>>, vector<1x16xf32>,
    %swap3A_58 = vector.shape_cast %swap3A_57 : vector<1x16xf32> to vector<16xf32>
    %swap3A_59 = vector.shape_cast %broadcast_in_dim3A_0 : vector<16xf32> to vector<1x16xf32>
    tpu.vector_store %arg4[%swap3A_55, %swap3A_56], %swap3A_59 {strides = array<i32>} : memref<64x16xf32, #tpu.memory_space<vmem>>, vector<1x16xf32>,
    %swap3A_60 = arith.constant 10 : i32
    %swap3A_61 = arith.index_cast %swap3A_60 : i32 to index
    %swap3A_62 = arith.constant 0 : index
    %swap3A_63 = tpu.vector_load %arg4[%swap3A_61, %swap3A_62] {strides = array<i32>} : memref<64x16xf32, #tpu.memory_space<vmem>>, vector<1x16xf32>,
    %swap3A_64 = vector.shape_cast %swap3A_63 : vector<1x16xf32> to vector<16xf32>
    %swap3A_65 = vector.shape_cast %broadcast_in_dim3A_0 : vector<16xf32> to vector<1x16xf32>
    tpu.vector_store %arg4[%swap3A_61, %swap3A_62], %swap3A_65 {strides = array<i32>} : memref<64x16xf32, #tpu.memory_space<vmem>>, vector<1x16xf32>,
    %swap3A_66 = arith.constant 11 : i32
    %swap3A_67 = arith.index_cast %swap3A_66 : i32 to index
    %swap3A_68 = arith.constant 0 : index
    %swap3A_69 = tpu.vector_load %arg4[%swap3A_67, %swap3A_68] {strides = array<i32>} : memref<64x16xf32, #tpu.memory_space<vmem>>, vector<1x16xf32>,
    %swap3A_70 = vector.shape_cast %swap3A_69 : vector<1x16xf32> to vector<16xf32>
    %swap3A_71 = vector.shape_cast %broadcast_in_dim3A_0 : vector<16xf32> to vector<1x16xf32>
    tpu.vector_store %arg4[%swap3A_67, %swap3A_68], %swap3A_71 {strides = array<i32>} : memref<64x16xf32, #tpu.memory_space<vmem>>, vector<1x16xf32>,
    %swap3A_72 = arith.constant 12 : i32
    %swap3A_73 = arith.index_cast %swap3A_72 : i32 to index
    %swap3A_74 = arith.constant 0 : index
    %swap3A_75 = tpu.vector_load %arg4[%swap3A_73, %swap3A_74] {strides = array<i32>} : memref<64x16xf32, #tpu.memory_space<vmem>>, vector<1x16xf32>,
    %swap3A_76 = vector.shape_cast %swap3A_75 : vector<1x16xf32> to vector<16xf32>
    %swap3A_77 = vector.shape_cast %broadcast_in_dim3A_0 : vector<16xf32> to vector<1x16xf32>
    tpu.vector_store %arg4[%swap3A_73, %swap3A_74], %swap3A_77 {strides = array<i32>} : memref<64x16xf32, #tpu.memory_space<vmem>>, vector<1x16xf32>,
    %swap3A_78 = arith.constant 13 : i32
    %swap3A_79 = arith.index_cast %swap3A_78 : i32 to index
    %swap3A_80 = arith.constant 0 : index
    %swap3A_81 = tpu.vector_load %arg4[%swap3A_79, %swap3A_80] {strides = array<i32>} : memref<64x16xf32, #tpu.memory_space<vmem>>, vector<1x16xf32>,
    %swap3A_82 = vector.shape_cast %swap3A_81 : vector<1x16xf32> to vector<16xf32>
    %swap3A_83 = vector.shape_cast %broadcast_in_dim3A_0 : vector<16xf32> to vector<1x16xf32>
    tpu.vector_store %arg4[%swap3A_79, %swap3A_80], %swap3A_83 {strides = array<i32>} : memref<64x16xf32, #tpu.memory_space<vmem>>, vector<1x16xf32>,
    %swap3A_84 = arith.constant 14 : i32
    %swap3A_85 = arith.index_cast %swap3A_84 : i32 to index
    %swap3A_86 = arith.constant 0 : index
    %swap3A_87 = tpu.vector_load %arg4[%swap3A_85, %swap3A_86] {strides = array<i32>} : memref<64x16xf32, #tpu.memory_space<vmem>>, vector<1x16xf32>,
    %swap3A_88 = vector.shape_cast %swap3A_87 : vector<1x16xf32> to vector<16xf32>
    %swap3A_89 = vector.shape_cast %broadcast_in_dim3A_0 : vector<16xf32> to vector<1x16xf32>
    tpu.vector_store %arg4[%swap3A_85, %swap3A_86], %swap3A_89 {strides = array<i32>} : memref<64x16xf32, #tpu.memory_space<vmem>>, vector<1x16xf32>,
    %swap3A_90 = arith.constant 15 : i32
    %swap3A_91 = arith.index_cast %swap3A_90 : i32 to index
    %swap3A_92 = arith.constant 0 : index
    %swap3A_93 = tpu.vector_load %arg4[%swap3A_91, %swap3A_92] {strides = array<i32>} : memref<64x16xf32, #tpu.memory_space<vmem>>, vector<1x16xf32>,
    %swap3A_94 = vector.shape_cast %swap3A_93 : vector<1x16xf32> to vector<16xf32>
    %swap3A_95 = vector.shape_cast %broadcast_in_dim3A_0 : vector<16xf32> to vector<1x16xf32>
    tpu.vector_store %arg4[%swap3A_91, %swap3A_92], %swap3A_95 {strides = array<i32>} : memref<64x16xf32, #tpu.memory_space<vmem>>, vector<1x16xf32>,
    %swap3A_96 = arith.constant 16 : i32
    %swap3A_97 = arith.index_cast %swap3A_96 : i32 to index
    %swap3A_98 = arith.constant 0 : index
    %swap3A_99 = tpu.vector_load %arg4[%swap3A_97, %swap3A_98] {strides = array<i32>} : memref<64x16xf32, #tpu.memory_space<vmem>>, vector<1x16xf32>,
    %swap3A_100 = vector.shape_cast %swap3A_99 : vector<1x16xf32> to vector<16xf32>
    %swap3A_101 = vector.shape_cast %broadcast_in_dim3A_0 : vector<16xf32> to vector<1x16xf32>
    tpu.vector_store %arg4[%swap3A_97, %swap3A_98], %swap3A_101 {strides = array<i32>} : memref<64x16xf32, #tpu.memory_space<vmem>>, vector<1x16xf32>,
    %swap3A_102 = arith.constant 17 : i32
    %swap3A_103 = arith.index_cast %swap3A_102 : i32 to index
    %swap3A_104 = arith.constant 0 : index
    %swap3A_105 = tpu.vector_load %arg4[%swap3A_103, %swap3A_104] {strides = array<i32>} : memref<64x16xf32, #tpu.memory_space<vmem>>, vector<1x16xf32>,
    %swap3A_106 = vector.shape_cast %swap3A_105 : vector<1x16xf32> to vector<16xf32>
    %swap3A_107 = vector.shape_cast %broadcast_in_dim3A_0 : vector<16xf32> to vector<1x16xf32>
    tpu.vector_store %arg4[%swap3A_103, %swap3A_104], %swap3A_107 {strides = array<i32>} : memref<64x16xf32, #tpu.memory_space<vmem>>, vector<1x16xf32>,
    %swap3A_108 = arith.constant 18 : i32
    %swap3A_109 = arith.index_cast %swap3A_108 : i32 to index
    %swap3A_110 = arith.constant 0 : index
    %swap3A_111 = tpu.vector_load %arg4[%swap3A_109, %swap3A_110] {strides = array<i32>} : memref<64x16xf32, #tpu.memory_space<vmem>>, vector<1x16xf32>,
    %swap3A_112 = vector.shape_cast %swap3A_111 : vector<1x16xf32> to vector<16xf32>
    %swap3A_113 = vector.shape_cast %broadcast_in_dim3A_0 : vector<16xf32> to vector<1x16xf32>
    tpu.vector_store %arg4[%swap3A_109, %swap3A_110], %swap3A_113 {strides = array<i32>} : memref<64x16xf32, #tpu.memory_space<vmem>>, vector<1x16xf32>,
    %swap3A_114 = arith.constant 19 : i32
    %swap3A_115 = arith.index_cast %swap3A_114 : i32 to index
    %swap3A_116 = arith.constant 0 : index
    %swap3A_117 = tpu.vector_load %arg4[%swap3A_115, %swap3A_116] {strides = array<i32>} : memref<64x16xf32, #tpu.memory_space<vmem>>, vector<1x16xf32>,
    %swap3A_118 = vector.shape_cast %swap3A_117 : vector<1x16xf32> to vector<16xf32>
    %swap3A_119 = vector.shape_cast %broadcast_in_dim3A_0 : vector<16xf32> to vector<1x16xf32>
    tpu.vector_store %arg4[%swap3A_115, %swap3A_116], %swap3A_119 {strides = array<i32>} : memref<64x16xf32, #tpu.memory_space<vmem>>, vector<1x16xf32>,
    %swap3A_120 = arith.constant 20 : i32
    %swap3A_121 = arith.index_cast %swap3A_120 : i32 to index
    %swap3A_122 = arith.constant 0 : index
    %swap3A_123 = tpu.vector_load %arg4[%swap3A_121, %swap3A_122] {strides = array<i32>} : memref<64x16xf32, #tpu.memory_space<vmem>>, vector<1x16xf32>,
    %swap3A_124 = vector.shape_cast %swap3A_123 : vector<1x16xf32> to vector<16xf32>
    %swap3A_125 = vector.shape_cast %broadcast_in_dim3A_0 : vector<16xf32> to vector<1x16xf32>
    tpu.vector_store %arg4[%swap3A_121, %swap3A_122], %swap3A_125 {strides = array<i32>} : memref<64x16xf32, #tpu.memory_space<vmem>>, vector<1x16xf32>,
    %swap3A_126 = arith.constant 21 : i32
    %swap3A_127 = arith.index_cast %swap3A_126 : i32 to index
    %swap3A_128 = arith.constant 0 : index
    %swap3A_129 = tpu.vector_load %arg4[%swap3A_127, %swap3A_128] {strides = array<i32>} : memref<64x16xf32, #tpu.memory_space<vmem>>, vector<1x16xf32>,
    %swap3A_130 = vector.shape_cast %swap3A_129 : vector<1x16xf32> to vector<16xf32>
    %swap3A_131 = vector.shape_cast %broadcast_in_dim3A_0 : vector<16xf32> to vector<1x16xf32>
    tpu.vector_store %arg4[%swap3A_127, %swap3A_128], %swap3A_131 {strides = array<i32>} : memref<64x16xf32, #tpu.memory_space<vmem>>, vector<1x16xf32>,
    %swap3A_132 = arith.constant 22 : i32
    %swap3A_133 = arith.index_cast %swap3A_132 : i32 to index
    %swap3A_134 = arith.constant 0 : index
    %swap3A_135 = tpu.vector_load %arg4[%swap3A_133, %swap3A_134] {strides = array<i32>} : memref<64x16xf32, #tpu.memory_space<vmem>>, vector<1x16xf32>,
    %swap3A_136 = vector.shape_cast %swap3A_135 : vector<1x16xf32> to vector<16xf32>
    %swap3A_137 = vector.shape_cast %broadcast_in_dim3A_0 : vector<16xf32> to vector<1x16xf32>
    tpu.vector_store %arg4[%swap3A_133, %swap3A_134], %swap3A_137 {strides = array<i32>} : memref<64x16xf32, #tpu.memory_space<vmem>>, vector<1x16xf32>,
    %swap3A_138 = arith.constant 23 : i32
    %swap3A_139 = arith.index_cast %swap3A_138 : i32 to index
    %swap3A_140 = arith.constant 0 : index
    %swap3A_141 = tpu.vector_load %arg4[%swap3A_139, %swap3A_140] {strides = array<i32>} : memref<64x16xf32, #tpu.memory_space<vmem>>, vector<1x16xf32>,
    %swap3A_142 = vector.shape_cast %swap3A_141 : vector<1x16xf32> to vector<16xf32>
    %swap3A_143 = vector.shape_cast %broadcast_in_dim3A_0 : vector<16xf32> to vector<1x16xf32>
    tpu.vector_store %arg4[%swap3A_139, %swap3A_140], %swap3A_143 {strides = array<i32>} : memref<64x16xf32, #tpu.memory_space<vmem>>, vector<1x16xf32>,
    %swap3A_144 = arith.constant 24 : i32
    %swap3A_145 = arith.index_cast %swap3A_144 : i32 to index
    %swap3A_146 = arith.constant 0 : index
    %swap3A_147 = tpu.vector_load %arg4[%swap3A_145, %swap3A_146] {strides = array<i32>} : memref<64x16xf32, #tpu.memory_space<vmem>>, vector<1x16xf32>,
    %swap3A_148 = vector.shape_cast %swap3A_147 : vector<1x16xf32> to vector<16xf32>
    %swap3A_149 = vector.shape_cast %broadcast_in_dim3A_0 : vector<16xf32> to vector<1x16xf32>
    tpu.vector_store %arg4[%swap3A_145, %swap3A_146], %swap3A_149 {strides = array<i32>} : memref<64x16xf32, #tpu.memory_space<vmem>>, vector<1x16xf32>,
    %swap3A_150 = arith.constant 25 : i32
    %swap3A_151 = arith.index_cast %swap3A_150 : i32 to index
    %swap3A_152 = arith.constant 0 : index
    %swap3A_153 = tpu.vector_load %arg4[%swap3A_151, %swap3A_152] {strides = array<i32>} : memref<64x16xf32, #tpu.memory_space<vmem>>, vector<1x16xf32>,
    %swap3A_154 = vector.shape_cast %swap3A_153 : vector<1x16xf32> to vector<16xf32>
    %swap3A_155 = vector.shape_cast %broadcast_in_dim3A_0 : vector<16xf32> to vector<1x16xf32>
    tpu.vector_store %arg4[%swap3A_151, %swap3A_152], %swap3A_155 {strides = array<i32>} : memref<64x16xf32, #tpu.memory_space<vmem>>, vector<1x16xf32>,
    %swap3A_156 = arith.constant 26 : i32
    %swap3A_157 = arith.index_cast %swap3A_156 : i32 to index
    %swap3A_158 = arith.constant 0 : index
    %swap3A_159 = tpu.vector_load %arg4[%swap3A_157, %swap3A_158] {strides = array<i32>} : memref<64x16xf32, #tpu.memory_space<vmem>>, vector<1x16xf32>,
    %swap3A_160 = vector.shape_cast %swap3A_159 : vector<1x16xf32> to vector<16xf32>
    %swap3A_161 = vector.shape_cast %broadcast_in_dim3A_0 : vector<16xf32> to vector<1x16xf32>
    tpu.vector_store %arg4[%swap3A_157, %swap3A_158], %swap3A_161 {strides = array<i32>} : memref<64x16xf32, #tpu.memory_space<vmem>>, vector<1x16xf32>,
    %swap3A_162 = arith.constant 27 : i32
    %swap3A_163 = arith.index_cast %swap3A_162 : i32 to index
    %swap3A_164 = arith.constant 0 : index
    %swap3A_165 = tpu.vector_load %arg4[%swap3A_163, %swap3A_164] {strides = array<i32>} : memref<64x16xf32, #tpu.memory_space<vmem>>, vector<1x16xf32>,
    %swap3A_166 = vector.shape_cast %swap3A_165 : vector<1x16xf32> to vector<16xf32>
    %swap3A_167 = vector.shape_cast %broadcast_in_dim3A_0 : vector<16xf32> to vector<1x16xf32>
    tpu.vector_store %arg4[%swap3A_163, %swap3A_164], %swap3A_167 {strides = array<i32>} : memref<64x16xf32, #tpu.memory_space<vmem>>, vector<1x16xf32>,
    %swap3A_168 = arith.constant 28 : i32
    %swap3A_169 = arith.index_cast %swap3A_168 : i32 to index
    %swap3A_170 = arith.constant 0 : index
    %swap3A_171 = tpu.vector_load %arg4[%swap3A_169, %swap3A_170] {strides = array<i32>} : memref<64x16xf32, #tpu.memory_space<vmem>>, vector<1x16xf32>,
    %swap3A_172 = vector.shape_cast %swap3A_171 : vector<1x16xf32> to vector<16xf32>
    %swap3A_173 = vector.shape_cast %broadcast_in_dim3A_0 : vector<16xf32> to vector<1x16xf32>
    tpu.vector_store %arg4[%swap3A_169, %swap3A_170], %swap3A_173 {strides = array<i32>} : memref<64x16xf32, #tpu.memory_space<vmem>>, vector<1x16xf32>,
    %swap3A_174 = arith.constant 29 : i32
    %swap3A_175 = arith.index_cast %swap3A_174 : i32 to index
    %swap3A_176 = arith.constant 0 : index
    %swap3A_177 = tpu.vector_load %arg4[%swap3A_175, %swap3A_176] {strides = array<i32>} : memref<64x16xf32, #tpu.memory_space<vmem>>, vector<1x16xf32>,
    %swap3A_178 = vector.shape_cast %swap3A_177 : vector<1x16xf32> to vector<16xf32>
    %swap3A_179 = vector.shape_cast %broadcast_in_dim3A_0 : vector<16xf32> to vector<1x16xf32>
    tpu.vector_store %arg4[%swap3A_175, %swap3A_176], %swap3A_179 {strides = array<i32>} : memref<64x16xf32, #tpu.memory_space<vmem>>, vector<1x16xf32>,
    %swap3A_180 = arith.constant 30 : i32
    %swap3A_181 = arith.index_cast %swap3A_180 : i32 to index
    %swap3A_182 = arith.constant 0 : index
    %swap3A_183 = tpu.vector_load %arg4[%swap3A_181, %swap3A_182] {strides = array<i32>} : memref<64x16xf32, #tpu.memory_space<vmem>>, vector<1x16xf32>,
    %swap3A_184 = vector.shape_cast %swap3A_183 : vector<1x16xf32> to vector<16xf32>
    %swap3A_185 = vector.shape_cast %broadcast_in_dim3A_0 : vector<16xf32> to vector<1x16xf32>
    tpu.vector_store %arg4[%swap3A_181, %swap3A_182], %swap3A_185 {strides = array<i32>} : memref<64x16xf32, #tpu.memory_space<vmem>>, vector<1x16xf32>,
    %swap3A_186 = arith.constant 31 : i32
    %swap3A_187 = arith.index_cast %swap3A_186 : i32 to index
    %swap3A_188 = arith.constant 0 : index
    %swap3A_189 = tpu.vector_load %arg4[%swap3A_187, %swap3A_188] {strides = array<i32>} : memref<64x16xf32, #tpu.memory_space<vmem>>, vector<1x16xf32>,
    %swap3A_190 = vector.shape_cast %swap3A_189 : vector<1x16xf32> to vector<16xf32>
    %swap3A_191 = vector.shape_cast %broadcast_in_dim3A_0 : vector<16xf32> to vector<1x16xf32>
    tpu.vector_store %arg4[%swap3A_187, %swap3A_188], %swap3A_191 {strides = array<i32>} : memref<64x16xf32, #tpu.memory_space<vmem>>, vector<1x16xf32>,
    %swap3A_192 = arith.constant 32 : i32
    %swap3A_193 = arith.index_cast %swap3A_192 : i32 to index
    %swap3A_194 = arith.constant 0 : index
    %swap3A_195 = tpu.vector_load %arg4[%swap3A_193, %swap3A_194] {strides = array<i32>} : memref<64x16xf32, #tpu.memory_space<vmem>>, vector<1x16xf32>,
    %swap3A_196 = vector.shape_cast %swap3A_195 : vector<1x16xf32> to vector<16xf32>
    %swap3A_197 = vector.shape_cast %broadcast_in_dim3A_0 : vector<16xf32> to vector<1x16xf32>
    tpu.vector_store %arg4[%swap3A_193, %swap3A_194], %swap3A_197 {strides = array<i32>} : memref<64x16xf32, #tpu.memory_space<vmem>>, vector<1x16xf32>,
    %swap3A_198 = arith.constant 33 : i32
    %swap3A_199 = arith.index_cast %swap3A_198 : i32 to index
    %swap3A_200 = arith.constant 0 : index
    %swap3A_201 = tpu.vector_load %arg4[%swap3A_199, %swap3A_200] {strides = array<i32>} : memref<64x16xf32, #tpu.memory_space<vmem>>, vector<1x16xf32>,
    %swap3A_202 = vector.shape_cast %swap3A_201 : vector<1x16xf32> to vector<16xf32>
    %swap3A_203 = vector.shape_cast %broadcast_in_dim3A_0 : vector<16xf32> to vector<1x16xf32>
    tpu.vector_store %arg4[%swap3A_199, %swap3A_200], %swap3A_203 {strides = array<i32>} : memref<64x16xf32, #tpu.memory_space<vmem>>, vector<1x16xf32>,
    %swap3A_204 = arith.constant 34 : i32
    %swap3A_205 = arith.index_cast %swap3A_204 : i32 to index
    %swap3A_206 = arith.constant 0 : index
    %swap3A_207 = tpu.vector_load %arg4[%swap3A_205, %swap3A_206] {strides = array<i32>} : memref<64x16xf32, #tpu.memory_space<vmem>>, vector<1x16xf32>,
    %swap3A_208 = vector.shape_cast %swap3A_207 : vector<1x16xf32> to vector<16xf32>
    %swap3A_209 = vector.shape_cast %broadcast_in_dim3A_0 : vector<16xf32> to vector<1x16xf32>
    tpu.vector_store %arg4[%swap3A_205, %swap3A_206], %swap3A_209 {strides = array<i32>} : memref<64x16xf32, #tpu.memory_space<vmem>>, vector<1x16xf32>,
    %swap3A_210 = arith.constant 35 : i32
    %swap3A_211 = arith.index_cast %swap3A_210 : i32 to index
    %swap3A_212 = arith.constant 0 : index
    %swap3A_213 = tpu.vector_load %arg4[%swap3A_211, %swap3A_212] {strides = array<i32>} : memref<64x16xf32, #tpu.memory_space<vmem>>, vector<1x16xf32>,
    %swap3A_214 = vector.shape_cast %swap3A_213 : vector<1x16xf32> to vector<16xf32>
    %swap3A_215 = vector.shape_cast %broadcast_in_dim3A_0 : vector<16xf32> to vector<1x16xf32>
    tpu.vector_store %arg4[%swap3A_211, %swap3A_212], %swap3A_215 {strides = array<i32>} : memref<64x16xf32, #tpu.memory_space<vmem>>, vector<1x16xf32>,
    %swap3A_216 = arith.constant 36 : i32
    %swap3A_217 = arith.index_cast %swap3A_216 : i32 to index
    %swap3A_218 = arith.constant 0 : index
    %swap3A_219 = tpu.vector_load %arg4[%swap3A_217, %swap3A_218] {strides = array<i32>} : memref<64x16xf32, #tpu.memory_space<vmem>>, vector<1x16xf32>,
    %swap3A_220 = vector.shape_cast %swap3A_219 : vector<1x16xf32> to vector<16xf32>
    %swap3A_221 = vector.shape_cast %broadcast_in_dim3A_0 : vector<16xf32> to vector<1x16xf32>
    tpu.vector_store %arg4[%swap3A_217, %swap3A_218], %swap3A_221 {strides = array<i32>} : memref<64x16xf32, #tpu.memory_space<vmem>>, vector<1x16xf32>,
    %swap3A_222 = arith.constant 37 : i32
    %swap3A_223 = arith.index_cast %swap3A_222 : i32 to index
    %swap3A_224 = arith.constant 0 : index
    %swap3A_225 = tpu.vector_load %arg4[%swap3A_223, %swap3A_224] {strides = array<i32>} : memref<64x16xf32, #tpu.memory_space<vmem>>, vector<1x16xf32>,
    %swap3A_226 = vector.shape_cast %swap3A_225 : vector<1x16xf32> to vector<16xf32>
    %swap3A_227 = vector.shape_cast %broadcast_in_dim3A_0 : vector<16xf32> to vector<1x16xf32>
    tpu.vector_store %arg4[%swap3A_223, %swap3A_224], %swap3A_227 {strides = array<i32>} : memref<64x16xf32, #tpu.memory_space<vmem>>, vector<1x16xf32>,
    %swap3A_228 = arith.constant 38 : i32
    %swap3A_229 = arith.index_cast %swap3A_228 : i32 to index
    %swap3A_230 = arith.constant 0 : index
    %swap3A_231 = tpu.vector_load %arg4[%swap3A_229, %swap3A_230] {strides = array<i32>} : memref<64x16xf32, #tpu.memory_space<vmem>>, vector<1x16xf32>,
    %swap3A_232 = vector.shape_cast %swap3A_231 : vector<1x16xf32> to vector<16xf32>
    %swap3A_233 = vector.shape_cast %broadcast_in_dim3A_0 : vector<16xf32> to vector<1x16xf32>
    tpu.vector_store %arg4[%swap3A_229, %swap3A_230], %swap3A_233 {strides = array<i32>} : memref<64x16xf32, #tpu.memory_space<vmem>>, vector<1x16xf32>,
    %swap3A_234 = arith.constant 39 : i32
    %swap3A_235 = arith.index_cast %swap3A_234 : i32 to index
    %swap3A_236 = arith.constant 0 : index
    %swap3A_237 = tpu.vector_load %arg4[%swap3A_235, %swap3A_236] {strides = array<i32>} : memref<64x16xf32, #tpu.memory_space<vmem>>, vector<1x16xf32>,
    %swap3A_238 = vector.shape_cast %swap3A_237 : vector<1x16xf32> to vector<16xf32>
    %swap3A_239 = vector.shape_cast %broadcast_in_dim3A_0 : vector<16xf32> to vector<1x16xf32>
    tpu.vector_store %arg4[%swap3A_235, %swap3A_236], %swap3A_239 {strides = array<i32>} : memref<64x16xf32, #tpu.memory_space<vmem>>, vector<1x16xf32>,
    %swap3A_240 = arith.constant 40 : i32
    %swap3A_241 = arith.index_cast %swap3A_240 : i32 to index
    %swap3A_242 = arith.constant 0 : index
    %swap3A_243 = tpu.vector_load %arg4[%swap3A_241, %swap3A_242] {strides = array<i32>} : memref<64x16xf32, #tpu.memory_space<vmem>>, vector<1x16xf32>,
    %swap3A_244 = vector.shape_cast %swap3A_243 : vector<1x16xf32> to vector<16xf32>
    %swap3A_245 = vector.shape_cast %broadcast_in_dim3A_0 : vector<16xf32> to vector<1x16xf32>
    tpu.vector_store %arg4[%swap3A_241, %swap3A_242], %swap3A_245 {strides = array<i32>} : memref<64x16xf32, #tpu.memory_space<vmem>>, vector<1x16xf32>,
    %swap3A_246 = arith.constant 41 : i32
    %swap3A_247 = arith.index_cast %swap3A_246 : i32 to index
    %swap3A_248 = arith.constant 0 : index
    %swap3A_249 = tpu.vector_load %arg4[%swap3A_247, %swap3A_248] {strides = array<i32>} : memref<64x16xf32, #tpu.memory_space<vmem>>, vector<1x16xf32>,
    %swap3A_250 = vector.shape_cast %swap3A_249 : vector<1x16xf32> to vector<16xf32>
    %swap3A_251 = vector.shape_cast %broadcast_in_dim3A_0 : vector<16xf32> to vector<1x16xf32>
    tpu.vector_store %arg4[%swap3A_247, %swap3A_248], %swap3A_251 {strides = array<i32>} : memref<64x16xf32, #tpu.memory_space<vmem>>, vector<1x16xf32>,
    %swap3A_252 = arith.constant 42 : i32
    %swap3A_253 = arith.index_cast %swap3A_252 : i32 to index
    %swap3A_254 = arith.constant 0 : index
    %swap3A_255 = tpu.vector_load %arg4[%swap3A_253, %swap3A_254] {strides = array<i32>} : memref<64x16xf32, #tpu.memory_space<vmem>>, vector<1x16xf32>,
    %swap3A_256 = vector.shape_cast %swap3A_255 : vector<1x16xf32> to vector<16xf32>
    %swap3A_257 = vector.shape_cast %broadcast_in_dim3A_0 : vector<16xf32> to vector<1x16xf32>
    tpu.vector_store %arg4[%swap3A_253, %swap3A_254], %swap3A_257 {strides = array<i32>} : memref<64x16xf32, #tpu.memory_space<vmem>>, vector<1x16xf32>,
    %swap3A_258 = arith.constant 43 : i32
    %swap3A_259 = arith.index_cast %swap3A_258 : i32 to index
    %swap3A_260 = arith.constant 0 : index
    %swap3A_261 = tpu.vector_load %arg4[%swap3A_259, %swap3A_260] {strides = array<i32>} : memref<64x16xf32, #tpu.memory_space<vmem>>, vector<1x16xf32>,
    %swap3A_262 = vector.shape_cast %swap3A_261 : vector<1x16xf32> to vector<16xf32>
    %swap3A_263 = vector.shape_cast %broadcast_in_dim3A_0 : vector<16xf32> to vector<1x16xf32>
    tpu.vector_store %arg4[%swap3A_259, %swap3A_260], %swap3A_263 {strides = array<i32>} : memref<64x16xf32, #tpu.memory_space<vmem>>, vector<1x16xf32>,
    %swap3A_264 = arith.constant 44 : i32
    %swap3A_265 = arith.index_cast %swap3A_264 : i32 to index
    %swap3A_266 = arith.constant 0 : index
    %swap3A_267 = tpu.vector_load %arg4[%swap3A_265, %swap3A_266] {strides = array<i32>} : memref<64x16xf32, #tpu.memory_space<vmem>>, vector<1x16xf32>,
    %swap3A_268 = vector.shape_cast %swap3A_267 : vector<1x16xf32> to vector<16xf32>
    %swap3A_269 = vector.shape_cast %broadcast_in_dim3A_0 : vector<16xf32> to vector<1x16xf32>
    tpu.vector_store %arg4[%swap3A_265, %swap3A_266], %swap3A_269 {strides = array<i32>} : memref<64x16xf32, #tpu.memory_space<vmem>>, vector<1x16xf32>,
    %swap3A_270 = arith.constant 45 : i32
    %swap3A_271 = arith.index_cast %swap3A_270 : i32 to index
    %swap3A_272 = arith.constant 0 : index
    %swap3A_273 = tpu.vector_load %arg4[%swap3A_271, %swap3A_272] {strides = array<i32>} : memref<64x16xf32, #tpu.memory_space<vmem>>, vector<1x16xf32>,
    %swap3A_274 = vector.shape_cast %swap3A_273 : vector<1x16xf32> to vector<16xf32>
    %swap3A_275 = vector.shape_cast %broadcast_in_dim3A_0 : vector<16xf32> to vector<1x16xf32>
    tpu.vector_store %arg4[%swap3A_271, %swap3A_272], %swap3A_275 {strides = array<i32>} : memref<64x16xf32, #tpu.memory_space<vmem>>, vector<1x16xf32>,
    %swap3A_276 = arith.constant 46 : i32
    %swap3A_277 = arith.index_cast %swap3A_276 : i32 to index
    %swap3A_278 = arith.constant 0 : index
    %swap3A_279 = tpu.vector_load %arg4[%swap3A_277, %swap3A_278] {strides = array<i32>} : memref<64x16xf32, #tpu.memory_space<vmem>>, vector<1x16xf32>,
    %swap3A_280 = vector.shape_cast %swap3A_279 : vector<1x16xf32> to vector<16xf32>
    %swap3A_281 = vector.shape_cast %broadcast_in_dim3A_0 : vector<16xf32> to vector<1x16xf32>
    tpu.vector_store %arg4[%swap3A_277, %swap3A_278], %swap3A_281 {strides = array<i32>} : memref<64x16xf32, #tpu.memory_space<vmem>>, vector<1x16xf32>,
    %swap3A_282 = arith.constant 47 : i32
    %swap3A_283 = arith.index_cast %swap3A_282 : i32 to index
    %swap3A_284 = arith.constant 0 : index
    %swap3A_285 = tpu.vector_load %arg4[%swap3A_283, %swap3A_284] {strides = array<i32>} : memref<64x16xf32, #tpu.memory_space<vmem>>, vector<1x16xf32>,
    %swap3A_286 = vector.shape_cast %swap3A_285 : vector<1x16xf32> to vector<16xf32>
    %swap3A_287 = vector.shape_cast %broadcast_in_dim3A_0 : vector<16xf32> to vector<1x16xf32>
    tpu.vector_store %arg4[%swap3A_283, %swap3A_284], %swap3A_287 {strides = array<i32>} : memref<64x16xf32, #tpu.memory_space<vmem>>, vector<1x16xf32>,
    %swap3A_288 = arith.constant 48 : i32
    %swap3A_289 = arith.index_cast %swap3A_288 : i32 to index
    %swap3A_290 = arith.constant 0 : index
    %swap3A_291 = tpu.vector_load %arg4[%swap3A_289, %swap3A_290] {strides = array<i32>} : memref<64x16xf32, #tpu.memory_space<vmem>>, vector<1x16xf32>,
    %swap3A_292 = vector.shape_cast %swap3A_291 : vector<1x16xf32> to vector<16xf32>
    %swap3A_293 = vector.shape_cast %broadcast_in_dim3A_0 : vector<16xf32> to vector<1x16xf32>
    tpu.vector_store %arg4[%swap3A_289, %swap3A_290], %swap3A_293 {strides = array<i32>} : memref<64x16xf32, #tpu.memory_space<vmem>>, vector<1x16xf32>,
    %swap3A_294 = arith.constant 49 : i32
    %swap3A_295 = arith.index_cast %swap3A_294 : i32 to index
    %swap3A_296 = arith.constant 0 : index
    %swap3A_297 = tpu.vector_load %arg4[%swap3A_295, %swap3A_296] {strides = array<i32>} : memref<64x16xf32, #tpu.memory_space<vmem>>, vector<1x16xf32>,
    %swap3A_298 = vector.shape_cast %swap3A_297 : vector<1x16xf32> to vector<16xf32>
    %swap3A_299 = vector.shape_cast %broadcast_in_dim3A_0 : vector<16xf32> to vector<1x16xf32>
    tpu.vector_store %arg4[%swap3A_295, %swap3A_296], %swap3A_299 {strides = array<i32>} : memref<64x16xf32, #tpu.memory_space<vmem>>, vector<1x16xf32>,
    %swap3A_300 = arith.constant 50 : i32
    %swap3A_301 = arith.index_cast %swap3A_300 : i32 to index
    %swap3A_302 = arith.constant 0 : index
    %swap3A_303 = tpu.vector_load %arg4[%swap3A_301, %swap3A_302] {strides = array<i32>} : memref<64x16xf32, #tpu.memory_space<vmem>>, vector<1x16xf32>,
    %swap3A_304 = vector.shape_cast %swap3A_303 : vector<1x16xf32> to vector<16xf32>
    %swap3A_305 = vector.shape_cast %broadcast_in_dim3A_0 : vector<16xf32> to vector<1x16xf32>
    tpu.vector_store %arg4[%swap3A_301, %swap3A_302], %swap3A_305 {strides = array<i32>} : memref<64x16xf32, #tpu.memory_space<vmem>>, vector<1x16xf32>,
    %swap3A_306 = arith.constant 51 : i32
    %swap3A_307 = arith.index_cast %swap3A_306 : i32 to index
    %swap3A_308 = arith.constant 0 : index
    %swap3A_309 = tpu.vector_load %arg4[%swap3A_307, %swap3A_308] {strides = array<i32>} : memref<64x16xf32, #tpu.memory_space<vmem>>, vector<1x16xf32>,
    %swap3A_310 = vector.shape_cast %swap3A_309 : vector<1x16xf32> to vector<16xf32>
    %swap3A_311 = vector.shape_cast %broadcast_in_dim3A_0 : vector<16xf32> to vector<1x16xf32>
    tpu.vector_store %arg4[%swap3A_307, %swap3A_308], %swap3A_311 {strides = array<i32>} : memref<64x16xf32, #tpu.memory_space<vmem>>, vector<1x16xf32>,
    %swap3A_312 = arith.constant 52 : i32
    %swap3A_313 = arith.index_cast %swap3A_312 : i32 to index
    %swap3A_314 = arith.constant 0 : index
    %swap3A_315 = tpu.vector_load %arg4[%swap3A_313, %swap3A_314] {strides = array<i32>} : memref<64x16xf32, #tpu.memory_space<vmem>>, vector<1x16xf32>,
    %swap3A_316 = vector.shape_cast %swap3A_315 : vector<1x16xf32> to vector<16xf32>
    %swap3A_317 = vector.shape_cast %broadcast_in_dim3A_0 : vector<16xf32> to vector<1x16xf32>
    tpu.vector_store %arg4[%swap3A_313, %swap3A_314], %swap3A_317 {strides = array<i32>} : memref<64x16xf32, #tpu.memory_space<vmem>>, vector<1x16xf32>,
    %swap3A_318 = arith.constant 53 : i32
    %swap3A_319 = arith.index_cast %swap3A_318 : i32 to index
    %swap3A_320 = arith.constant 0 : index
    %swap3A_321 = tpu.vector_load %arg4[%swap3A_319, %swap3A_320] {strides = array<i32>} : memref<64x16xf32, #tpu.memory_space<vmem>>, vector<1x16xf32>,
    %swap3A_322 = vector.shape_cast %swap3A_321 : vector<1x16xf32> to vector<16xf32>
    %swap3A_323 = vector.shape_cast %broadcast_in_dim3A_0 : vector<16xf32> to vector<1x16xf32>
    tpu.vector_store %arg4[%swap3A_319, %swap3A_320], %swap3A_323 {strides = array<i32>} : memref<64x16xf32, #tpu.memory_space<vmem>>, vector<1x16xf32>,
    %swap3A_324 = arith.constant 54 : i32
    %swap3A_325 = arith.index_cast %swap3A_324 : i32 to index
    %swap3A_326 = arith.constant 0 : index
    %swap3A_327 = tpu.vector_load %arg4[%swap3A_325, %swap3A_326] {strides = array<i32>} : memref<64x16xf32, #tpu.memory_space<vmem>>, vector<1x16xf32>,
    %swap3A_328 = vector.shape_cast %swap3A_327 : vector<1x16xf32> to vector<16xf32>
    %swap3A_329 = vector.shape_cast %broadcast_in_dim3A_0 : vector<16xf32> to vector<1x16xf32>
    tpu.vector_store %arg4[%swap3A_325, %swap3A_326], %swap3A_329 {strides = array<i32>} : memref<64x16xf32, #tpu.memory_space<vmem>>, vector<1x16xf32>,
    %swap3A_330 = arith.constant 55 : i32
    %swap3A_331 = arith.index_cast %swap3A_330 : i32 to index
    %swap3A_332 = arith.constant 0 : index
    %swap3A_333 = tpu.vector_load %arg4[%swap3A_331, %swap3A_332] {strides = array<i32>} : memref<64x16xf32, #tpu.memory_space<vmem>>, vector<1x16xf32>,
    %swap3A_334 = vector.shape_cast %swap3A_333 : vector<1x16xf32> to vector<16xf32>
    %swap3A_335 = vector.shape_cast %broadcast_in_dim3A_0 : vector<16xf32> to vector<1x16xf32>
    tpu.vector_store %arg4[%swap3A_331, %swap3A_332], %swap3A_335 {strides = array<i32>} : memref<64x16xf32, #tpu.memory_space<vmem>>, vector<1x16xf32>,
    %swap3A_336 = arith.constant 56 : i32
    %swap3A_337 = arith.index_cast %swap3A_336 : i32 to index
    %swap3A_338 = arith.constant 0 : index
    %swap3A_339 = tpu.vector_load %arg4[%swap3A_337, %swap3A_338] {strides = array<i32>} : memref<64x16xf32, #tpu.memory_space<vmem>>, vector<1x16xf32>,
    %swap3A_340 = vector.shape_cast %swap3A_339 : vector<1x16xf32> to vector<16xf32>
    %swap3A_341 = vector.shape_cast %broadcast_in_dim3A_0 : vector<16xf32> to vector<1x16xf32>
    tpu.vector_store %arg4[%swap3A_337, %swap3A_338], %swap3A_341 {strides = array<i32>} : memref<64x16xf32, #tpu.memory_space<vmem>>, vector<1x16xf32>,
    %swap3A_342 = arith.constant 57 : i32
    %swap3A_343 = arith.index_cast %swap3A_342 : i32 to index
    %swap3A_344 = arith.constant 0 : index
    %swap3A_345 = tpu.vector_load %arg4[%swap3A_343, %swap3A_344] {strides = array<i32>} : memref<64x16xf32, #tpu.memory_space<vmem>>, vector<1x16xf32>,
    %swap3A_346 = vector.shape_cast %swap3A_345 : vector<1x16xf32> to vector<16xf32>
    %swap3A_347 = vector.shape_cast %broadcast_in_dim3A_0 : vector<16xf32> to vector<1x16xf32>
    tpu.vector_store %arg4[%swap3A_343, %swap3A_344], %swap3A_347 {strides = array<i32>} : memref<64x16xf32, #tpu.memory_space<vmem>>, vector<1x16xf32>,
    %swap3A_348 = arith.constant 58 : i32
    %swap3A_349 = arith.index_cast %swap3A_348 : i32 to index
    %swap3A_350 = arith.constant 0 : index
    %swap3A_351 = tpu.vector_load %arg4[%swap3A_349, %swap3A_350] {strides = array<i32>} : memref<64x16xf32, #tpu.memory_space<vmem>>, vector<1x16xf32>,
    %swap3A_352 = vector.shape_cast %swap3A_351 : vector<1x16xf32> to vector<16xf32>
    %swap3A_353 = vector.shape_cast %broadcast_in_dim3A_0 : vector<16xf32> to vector<1x16xf32>
    tpu.vector_store %arg4[%swap3A_349, %swap3A_350], %swap3A_353 {strides = array<i32>} : memref<64x16xf32, #tpu.memory_space<vmem>>, vector<1x16xf32>,
    %swap3A_354 = arith.constant 59 : i32
    %swap3A_355 = arith.index_cast %swap3A_354 : i32 to index
    %swap3A_356 = arith.constant 0 : index
    %swap3A_357 = tpu.vector_load %arg4[%swap3A_355, %swap3A_356] {strides = array<i32>} : memref<64x16xf32, #tpu.memory_space<vmem>>, vector<1x16xf32>,
    %swap3A_358 = vector.shape_cast %swap3A_357 : vector<1x16xf32> to vector<16xf32>
    %swap3A_359 = vector.shape_cast %broadcast_in_dim3A_0 : vector<16xf32> to vector<1x16xf32>
    tpu.vector_store %arg4[%swap3A_355, %swap3A_356], %swap3A_359 {strides = array<i32>} : memref<64x16xf32, #tpu.memory_space<vmem>>, vector<1x16xf32>,
    %swap3A_360 = arith.constant 60 : i32
    %swap3A_361 = arith.index_cast %swap3A_360 : i32 to index
    %swap3A_362 = arith.constant 0 : index
    %swap3A_363 = tpu.vector_load %arg4[%swap3A_361, %swap3A_362] {strides = array<i32>} : memref<64x16xf32, #tpu.memory_space<vmem>>, vector<1x16xf32>,
    %swap3A_364 = vector.shape_cast %swap3A_363 : vector<1x16xf32> to vector<16xf32>
    %swap3A_365 = vector.shape_cast %broadcast_in_dim3A_0 : vector<16xf32> to vector<1x16xf32>
    tpu.vector_store %arg4[%swap3A_361, %swap3A_362], %swap3A_365 {strides = array<i32>} : memref<64x16xf32, #tpu.memory_space<vmem>>, vector<1x16xf32>,
    %swap3A_366 = arith.constant 61 : i32
    %swap3A_367 = arith.index_cast %swap3A_366 : i32 to index
    %swap3A_368 = arith.constant 0 : index
    %swap3A_369 = tpu.vector_load %arg4[%swap3A_367, %swap3A_368] {strides = array<i32>} : memref<64x16xf32, #tpu.memory_space<vmem>>, vector<1x16xf32>,
    %swap3A_370 = vector.shape_cast %swap3A_369 : vector<1x16xf32> to vector<16xf32>
    %swap3A_371 = vector.shape_cast %broadcast_in_dim3A_0 : vector<16xf32> to vector<1x16xf32>
    tpu.vector_store %arg4[%swap3A_367, %swap3A_368], %swap3A_371 {strides = array<i32>} : memref<64x16xf32, #tpu.memory_space<vmem>>, vector<1x16xf32>,
    %swap3A_372 = arith.constant 62 : i32
    %swap3A_373 = arith.index_cast %swap3A_372 : i32 to index
    %swap3A_374 = arith.constant 0 : index
    %swap3A_375 = tpu.vector_load %arg4[%swap3A_373, %swap3A_374] {strides = array<i32>} : memref<64x16xf32, #tpu.memory_space<vmem>>, vector<1x16xf32>,
    %swap3A_376 = vector.shape_cast %swap3A_375 : vector<1x16xf32> to vector<16xf32>
    %swap3A_377 = vector.shape_cast %broadcast_in_dim3A_0 : vector<16xf32> to vector<1x16xf32>
    tpu.vector_store %arg4[%swap3A_373, %swap3A_374], %swap3A_377 {strides = array<i32>} : memref<64x16xf32, #tpu.memory_space<vmem>>, vector<1x16xf32>,
    %swap3A_378 = arith.constant 63 : i32
    %swap3A_379 = arith.index_cast %swap3A_378 : i32 to index
    %swap3A_380 = arith.constant 0 : index
    %swap3A_381 = tpu.vector_load %arg4[%swap3A_379, %swap3A_380] {strides = array<i32>} : memref<64x16xf32, #tpu.memory_space<vmem>>, vector<1x16xf32>,
    %swap3A_382 = vector.shape_cast %swap3A_381 : vector<1x16xf32> to vector<16xf32>
    %swap3A_383 = vector.shape_cast %broadcast_in_dim3A_0 : vector<16xf32> to vector<1x16xf32>
    tpu.vector_store %arg4[%swap3A_379, %swap3A_380], %swap3A_383 {strides = array<i32>} : memref<64x16xf32, #tpu.memory_space<vmem>>, vector<1x16xf32>,
    %mul3A = arith.constant 4 : i32
    %mul3A_384 = arith.muli %arg1, %mul3A : i32
    %add3A = arith.constant 0 : i32
    %add3A_385 = arith.addi %mul3A_384, %add3A : i32
    %mul3A_386 = arith.constant 127 : i32
    %mul3A_387 = arith.muli %mul3A_386, %add3A_385 : i32
    %add3A_388 = arith.constant 64 : i32
    %add3A_389 = arith.addi %add3A_388, %mul3A_387 : i32
    %sub3A = arith.constant 1 : i32
    %sub3A_390 = arith.subi %add3A_385, %sub3A : i32
    %mul3A_391 = arith.muli %add3A_385, %sub3A_390 : i32
    %jit3A = arith.constant 2 : i32
    %div3A = arith.divsi %mul3A_391, %jit3A : i32
    %sign3A = arith.constant 0 : i32
    %sign3A_392 = arith.cmpi sgt, %mul3A_391, %sign3A : i32
    %sign3A_393 = arith.extui %sign3A_392 : i1 to i32
    %sign3A_394 = arith.constant 0 : i32
    %sign3A_395 = arith.cmpi slt, %mul3A_391, %sign3A_394 : i32
    %sign3A_396 = arith.extui %sign3A_395 : i1 to i32
    %sign3A_397 = arith.subi %sign3A_393, %sign3A_396 : i32
    %sign3A_398 = arith.constant 0 : i32
    %sign3A_399 = arith.cmpi sgt, %jit3A, %sign3A_398 : i32
    %sign3A_400 = arith.extui %sign3A_399 : i1 to i32
    %sign3A_401 = arith.constant 0 : i32
    %sign3A_402 = arith.cmpi slt, %jit3A, %sign3A_401 : i32
    %sign3A_403 = arith.extui %sign3A_402 : i1 to i32
    %sign3A_404 = arith.subi %sign3A_400, %sign3A_403 : i32
    %ne3A = arith.cmpi ne, %sign3A_397, %sign3A_404 : i32
    %rem3A = arith.remsi %mul3A_391, %jit3A : i32
    %ne3A_405 = arith.constant 0 : i32
    %ne3A_406 = arith.cmpi ne, %rem3A, %ne3A_405 : i32
    %and3A = arith.andi %ne3A, %ne3A_406 : i1
    %sub3A_407 = arith.constant 1 : i32
    %sub3A_408 = arith.subi %div3A, %sub3A_407 : i32
    %select_n3A = arith.select %and3A, %sub3A_408, %div3A : i32
    %sub3A_409 = arith.subi %add3A_389, %select_n3A : i32
    %add3A_410 = arith.constant 64 : i32
    %add3A_411 = arith.addi %sub3A_409, %add3A_410 : i32
    %dma_start3A = arith.constant 0 : i32
    %dma_start3A_412 = tpu.memref_slice %arg3[%add3A_411, %dma_start3A] : memref<8256x16xf32, #tpu.memory_space<hbm>> -> memref<64x16xf32, #tpu.memory_space<hbm>>
    %dma_start3A_413 = arith.constant 0 : i32
    %dma_start3A_414 = tpu.memref_slice %arg3[%add3A_411, %dma_start3A_413] : memref<8256x16xf32, #tpu.memory_space<hbm>> -> memref<64x16xf32, #tpu.memory_space<hbm>>
    tpu.enqueue_dma source(%arg4 : memref<64x16xf32, #tpu.memory_space<vmem>>) target(%dma_start3A_414 : memref<64x16xf32, #tpu.memory_space<hbm>>) target_semaphore(%arg5 : memref<!tpu.dma_semaphore, #tpu.memory_space<semaphore_mem>>)
    %mul3A_415 = arith.constant 4 : i32
    %mul3A_416 = arith.muli %arg1, %mul3A_415 : i32
    %add3A_417 = arith.constant 1 : i32
    %add3A_418 = arith.addi %mul3A_416, %add3A_417 : i32
    %mul3A_419 = arith.constant 127 : i32
    %mul3A_420 = arith.muli %mul3A_419, %add3A_418 : i32
    %add3A_421 = arith.constant 64 : i32
    %add3A_422 = arith.addi %add3A_421, %mul3A_420 : i32
    %sub3A_423 = arith.constant 1 : i32
    %sub3A_424 = arith.subi %add3A_418, %sub3A_423 : i32
    %mul3A_425 = arith.muli %add3A_418, %sub3A_424 : i32
    %jit3A_426 = arith.constant 2 : i32
    %div3A_427 = arith.divsi %mul3A_425, %jit3A_426 : i32
    %sign3A_428 = arith.constant 0 : i32
    %sign3A_429 = arith.cmpi sgt, %mul3A_425, %sign3A_428 : i32
    %sign3A_430 = arith.extui %sign3A_429 : i1 to i32
    %sign3A_431 = arith.constant 0 : i32
    %sign3A_432 = arith.cmpi slt, %mul3A_425, %sign3A_431 : i32
    %sign3A_433 = arith.extui %sign3A_432 : i1 to i32
    %sign3A_434 = arith.subi %sign3A_430, %sign3A_433 : i32
    %sign3A_435 = arith.constant 0 : i32
    %sign3A_436 = arith.cmpi sgt, %jit3A_426, %sign3A_435 : i32
    %sign3A_437 = arith.extui %sign3A_436 : i1 to i32
    %sign3A_438 = arith.constant 0 : i32
    %sign3A_439 = arith.cmpi slt, %jit3A_426, %sign3A_438 : i32
    %sign3A_440 = arith.extui %sign3A_439 : i1 to i32
    %sign3A_441 = arith.subi %sign3A_437, %sign3A_440 : i32
    %ne3A_442 = arith.cmpi ne, %sign3A_434, %sign3A_441 : i32
    %rem3A_443 = arith.remsi %mul3A_425, %jit3A_426 : i32
    %ne3A_444 = arith.constant 0 : i32
    %ne3A_445 = arith.cmpi ne, %rem3A_443, %ne3A_444 : i32
    %and3A_446 = arith.andi %ne3A_442, %ne3A_445 : i1
    %sub3A_447 = arith.constant 1 : i32
    %sub3A_448 = arith.subi %div3A_427, %sub3A_447 : i32
    %select_n3A_449 = arith.select %and3A_446, %sub3A_448, %div3A_427 : i32
    %sub3A_450 = arith.subi %add3A_422, %select_n3A_449 : i32
    %add3A_451 = arith.constant 64 : i32
    %add3A_452 = arith.addi %sub3A_450, %add3A_451 : i32
    %dma_start3A_453 = arith.constant 0 : i32
    %dma_start3A_454 = tpu.memref_slice %arg3[%add3A_452, %dma_start3A_453] : memref<8256x16xf32, #tpu.memory_space<hbm>> -> memref<64x16xf32, #tpu.memory_space<hbm>>
    %dma_start3A_455 = arith.constant 0 : i32
    %dma_start3A_456 = tpu.memref_slice %arg3[%add3A_452, %dma_start3A_455] : memref<8256x16xf32, #tpu.memory_space<hbm>> -> memref<64x16xf32, #tpu.memory_space<hbm>>
    tpu.enqueue_dma source(%arg4 : memref<64x16xf32, #tpu.memory_space<vmem>>) target(%dma_start3A_456 : memref<64x16xf32, #tpu.memory_space<hbm>>) target_semaphore(%arg5 : memref<!tpu.dma_semaphore, #tpu.memory_space<semaphore_mem>>)
    %mul3A_457 = arith.constant 4 : i32
    %mul3A_458 = arith.muli %arg1, %mul3A_457 : i32
    %add3A_459 = arith.constant 2 : i32
    %add3A_460 = arith.addi %mul3A_458, %add3A_459 : i32
    %mul3A_461 = arith.constant 127 : i32
    %mul3A_462 = arith.muli %mul3A_461, %add3A_460 : i32
    %add3A_463 = arith.constant 64 : i32
    %add3A_464 = arith.addi %add3A_463, %mul3A_462 : i32
    %sub3A_465 = arith.constant 1 : i32
    %sub3A_466 = arith.subi %add3A_460, %sub3A_465 : i32
    %mul3A_467 = arith.muli %add3A_460, %sub3A_466 : i32
    %jit3A_468 = arith.constant 2 : i32
    %div3A_469 = arith.divsi %mul3A_467, %jit3A_468 : i32
    %sign3A_470 = arith.constant 0 : i32
    %sign3A_471 = arith.cmpi sgt, %mul3A_467, %sign3A_470 : i32
    %sign3A_472 = arith.extui %sign3A_471 : i1 to i32
    %sign3A_473 = arith.constant 0 : i32
    %sign3A_474 = arith.cmpi slt, %mul3A_467, %sign3A_473 : i32
    %sign3A_475 = arith.extui %sign3A_474 : i1 to i32
    %sign3A_476 = arith.subi %sign3A_472, %sign3A_475 : i32
    %sign3A_477 = arith.constant 0 : i32
    %sign3A_478 = arith.cmpi sgt, %jit3A_468, %sign3A_477 : i32
    %sign3A_479 = arith.extui %sign3A_478 : i1 to i32
    %sign3A_480 = arith.constant 0 : i32
    %sign3A_481 = arith.cmpi slt, %jit3A_468, %sign3A_480 : i32
    %sign3A_482 = arith.extui %sign3A_481 : i1 to i32
    %sign3A_483 = arith.subi %sign3A_479, %sign3A_482 : i32
    %ne3A_484 = arith.cmpi ne, %sign3A_476, %sign3A_483 : i32
    %rem3A_485 = arith.remsi %mul3A_467, %jit3A_468 : i32
    %ne3A_486 = arith.constant 0 : i32
    %ne3A_487 = arith.cmpi ne, %rem3A_485, %ne3A_486 : i32
    %and3A_488 = arith.andi %ne3A_484, %ne3A_487 : i1
    %sub3A_489 = arith.constant 1 : i32
    %sub3A_490 = arith.subi %div3A_469, %sub3A_489 : i32
    %select_n3A_491 = arith.select %and3A_488, %sub3A_490, %div3A_469 : i32
    %sub3A_492 = arith.subi %add3A_464, %select_n3A_491 : i32
    %add3A_493 = arith.constant 64 : i32
    %add3A_494 = arith.addi %sub3A_492, %add3A_493 : i32
    %dma_start3A_495 = arith.constant 0 : i32
    %dma_start3A_496 = tpu.memref_slice %arg3[%add3A_494, %dma_start3A_495] : memref<8256x16xf32, #tpu.memory_space<hbm>> -> memref<64x16xf32, #tpu.memory_space<hbm>>
    %dma_start3A_497 = arith.constant 0 : i32
    %dma_start3A_498 = tpu.memref_slice %arg3[%add3A_494, %dma_start3A_497] : memref<8256x16xf32, #tpu.memory_space<hbm>> -> memref<64x16xf32, #tpu.memory_space<hbm>>
    tpu.enqueue_dma source(%arg4 : memref<64x16xf32, #tpu.memory_space<vmem>>) target(%dma_start3A_498 : memref<64x16xf32, #tpu.memory_space<hbm>>) target_semaphore(%arg5 : memref<!tpu.dma_semaphore, #tpu.memory_space<semaphore_mem>>)
    %mul3A_499 = arith.constant 4 : i32
    %mul3A_500 = arith.muli %arg1, %mul3A_499 : i32
    %add3A_501 = arith.constant 3 : i32
    %add3A_502 = arith.addi %mul3A_500, %add3A_501 : i32
    %mul3A_503 = arith.constant 127 : i32
    %mul3A_504 = arith.muli %mul3A_503, %add3A_502 : i32
    %add3A_505 = arith.constant 64 : i32
    %add3A_506 = arith.addi %add3A_505, %mul3A_504 : i32
    %sub3A_507 = arith.constant 1 : i32
    %sub3A_508 = arith.subi %add3A_502, %sub3A_507 : i32
    %mul3A_509 = arith.muli %add3A_502, %sub3A_508 : i32
    %jit3A_510 = arith.constant 2 : i32
    %div3A_511 = arith.divsi %mul3A_509, %jit3A_510 : i32
    %sign3A_512 = arith.constant 0 : i32
    %sign3A_513 = arith.cmpi sgt, %mul3A_509, %sign3A_512 : i32
    %sign3A_514 = arith.extui %sign3A_513 : i1 to i32
    %sign3A_515 = arith.constant 0 : i32
    %sign3A_516 = arith.cmpi slt, %mul3A_509, %sign3A_515 : i32
    %sign3A_517 = arith.extui %sign3A_516 : i1 to i32
    %sign3A_518 = arith.subi %sign3A_514, %sign3A_517 : i32
    %sign3A_519 = arith.constant 0 : i32
    %sign3A_520 = arith.cmpi sgt, %jit3A_510, %sign3A_519 : i32
    %sign3A_521 = arith.extui %sign3A_520 : i1 to i32
    %sign3A_522 = arith.constant 0 : i32
    %sign3A_523 = arith.cmpi slt, %jit3A_510, %sign3A_522 : i32
    %sign3A_524 = arith.extui %sign3A_523 : i1 to i32
    %sign3A_525 = arith.subi %sign3A_521, %sign3A_524 : i32
    %ne3A_526 = arith.cmpi ne, %sign3A_518, %sign3A_525 : i32
    %rem3A_527 = arith.remsi %mul3A_509, %jit3A_510 : i32
    %ne3A_528 = arith.constant 0 : i32
    %ne3A_529 = arith.cmpi ne, %rem3A_527, %ne3A_528 : i32
    %and3A_530 = arith.andi %ne3A_526, %ne3A_529 : i1
    %sub3A_531 = arith.constant 1 : i32
    %sub3A_532 = arith.subi %div3A_511, %sub3A_531 : i32
    %select_n3A_533 = arith.select %and3A_530, %sub3A_532, %div3A_511 : i32
    %sub3A_534 = arith.subi %add3A_506, %select_n3A_533 : i32
    %add3A_535 = arith.constant 64 : i32
    %add3A_536 = arith.addi %sub3A_534, %add3A_535 : i32
    %dma_start3A_537 = arith.constant 0 : i32
    %dma_start3A_538 = tpu.memref_slice %arg3[%add3A_536, %dma_start3A_537] : memref<8256x16xf32, #tpu.memory_space<hbm>> -> memref<64x16xf32, #tpu.memory_space<hbm>>
    %dma_start3A_539 = arith.constant 0 : i32
    %dma_start3A_540 = tpu.memref_slice %arg3[%add3A_536, %dma_start3A_539] : memref<8256x16xf32, #tpu.memory_space<hbm>> -> memref<64x16xf32, #tpu.memory_space<hbm>>
    tpu.enqueue_dma source(%arg4 : memref<64x16xf32, #tpu.memory_space<vmem>>) target(%dma_start3A_540 : memref<64x16xf32, #tpu.memory_space<hbm>>) target_semaphore(%arg5 : memref<!tpu.dma_semaphore, #tpu.memory_space<semaphore_mem>>)
    %mul3A_541 = arith.constant 3 : i32
    %mul3A_542 = arith.muli %arg1, %mul3A_541 : i32
    %add3A_543 = arith.constant 0 : i32
    %add3A_544 = arith.addi %mul3A_542, %add3A_543 : i32
    %mul3A_545 = arith.constant 64 : i32
    %mul3A_546 = arith.muli %mul3A_545, %add3A_544 : i32
    %add3A_547 = arith.constant 6176 : i32
    %add3A_548 = arith.addi %add3A_547, %mul3A_546 : i32
    %min3A = arith.constant 8192 : i32
    %min3A_549 = arith.minsi %add3A_548, %min3A : i32
    %dma_start3A_550 = arith.constant 0 : i32
    %dma_start3A_551 = tpu.memref_slice %arg3[%min3A_549, %dma_start3A_550] : memref<8256x16xf32, #tpu.memory_space<hbm>> -> memref<64x16xf32, #tpu.memory_space<hbm>>
    %dma_start3A_552 = arith.constant 0 : i32
    %dma_start3A_553 = tpu.memref_slice %arg3[%min3A_549, %dma_start3A_552] : memref<8256x16xf32, #tpu.memory_space<hbm>> -> memref<64x16xf32, #tpu.memory_space<hbm>>
    tpu.enqueue_dma source(%arg4 : memref<64x16xf32, #tpu.memory_space<vmem>>) target(%dma_start3A_553 : memref<64x16xf32, #tpu.memory_space<hbm>>) target_semaphore(%arg5 : memref<!tpu.dma_semaphore, #tpu.memory_space<semaphore_mem>>)
    %mul3A_554 = arith.constant 3 : i32
    %mul3A_555 = arith.muli %arg1, %mul3A_554 : i32
    %add3A_556 = arith.constant 1 : i32
    %add3A_557 = arith.addi %mul3A_555, %add3A_556 : i32
    %mul3A_558 = arith.constant 64 : i32
    %mul3A_559 = arith.muli %mul3A_558, %add3A_557 : i32
    %add3A_560 = arith.constant 6176 : i32
    %add3A_561 = arith.addi %add3A_560, %mul3A_559 : i32
    %min3A_562 = arith.constant 8192 : i32
    %min3A_563 = arith.minsi %add3A_561, %min3A_562 : i32
    %dma_start3A_564 = arith.constant 0 : i32
    %dma_start3A_565 = tpu.memref_slice %arg3[%min3A_563, %dma_start3A_564] : memref<8256x16xf32, #tpu.memory_space<hbm>> -> memref<64x16xf32, #tpu.memory_space<hbm>>
    %dma_start3A_566 = arith.constant 0 : i32
    %dma_start3A_567 = tpu.memref_slice %arg3[%min3A_563, %dma_start3A_566] : memref<8256x16xf32, #tpu.memory_space<hbm>> -> memref<64x16xf32, #tpu.memory_space<hbm>>
    tpu.enqueue_dma source(%arg4 : memref<64x16xf32, #tpu.memory_space<vmem>>) target(%dma_start3A_567 : memref<64x16xf32, #tpu.memory_space<hbm>>) target_semaphore(%arg5 : memref<!tpu.dma_semaphore, #tpu.memory_space<semaphore_mem>>)
    %mul3A_568 = arith.constant 3 : i32
    %mul3A_569 = arith.muli %arg1, %mul3A_568 : i32
    %add3A_570 = arith.constant 2 : i32
    %add3A_571 = arith.addi %mul3A_569, %add3A_570 : i32
    %mul3A_572 = arith.constant 64 : i32
    %mul3A_573 = arith.muli %mul3A_572, %add3A_571 : i32
    %add3A_574 = arith.constant 6176 : i32
    %add3A_575 = arith.addi %add3A_574, %mul3A_573 : i32
    %min3A_576 = arith.constant 8192 : i32
    %min3A_577 = arith.minsi %add3A_575, %min3A_576 : i32
    %dma_start3A_578 = arith.constant 0 : i32
    %dma_start3A_579 = tpu.memref_slice %arg3[%min3A_577, %dma_start3A_578] : memref<8256x16xf32, #tpu.memory_space<hbm>> -> memref<64x16xf32, #tpu.memory_space<hbm>>
    %dma_start3A_580 = arith.constant 0 : i32
    %dma_start3A_581 = tpu.memref_slice %arg3[%min3A_577, %dma_start3A_580] : memref<8256x16xf32, #tpu.memory_space<hbm>> -> memref<64x16xf32, #tpu.memory_space<hbm>>
    tpu.enqueue_dma source(%arg4 : memref<64x16xf32, #tpu.memory_space<vmem>>) target(%dma_start3A_581 : memref<64x16xf32, #tpu.memory_space<hbm>>) target_semaphore(%arg5 : memref<!tpu.dma_semaphore, #tpu.memory_space<semaphore_mem>>)
    %eq3A = arith.constant 0 : i32
    %eq3A_582 = arith.cmpi eq, %arg1, %eq3A : i32
    %convert_element_type3A = arith.extui %eq3A_582 : i1 to i32
    %cond3A = arith.constant 0 : i32
    %cond3A_583 = arith.cmpi ne, %convert_element_type3A, %cond3A : i32
    scf.if %cond3A_583 {
      "tpu.region"() ({
        %run_scoped3A = tpu.sem_alloc : memref<!tpu.dma_semaphore, #tpu.memory_space<semaphore_mem>>
        %dma_start3A_795 = arith.constant 0 : i32
        %dma_start3A_796 = arith.constant 0 : i32
        %dma_start3A_797 = tpu.memref_slice %arg3[%dma_start3A_795, %dma_start3A_796] : memref<8256x16xf32, #tpu.memory_space<hbm>> -> memref<64x16xf32, #tpu.memory_space<hbm>>
        %dma_start3A_798 = arith.constant 0 : i32
        %dma_start3A_799 = arith.constant 0 : i32
        %dma_start3A_800 = tpu.memref_slice %arg3[%dma_start3A_798, %dma_start3A_799] : memref<8256x16xf32, #tpu.memory_space<hbm>> -> memref<64x16xf32, #tpu.memory_space<hbm>>
        tpu.enqueue_dma source(%arg4 : memref<64x16xf32, #tpu.memory_space<vmem>>) target(%dma_start3A_800 : memref<64x16xf32, #tpu.memory_space<hbm>>) target_semaphore(%run_scoped3A : memref<!tpu.dma_semaphore, #tpu.memory_space<semaphore_mem>>)
        %dma_wait3A_801 = arith.constant 0 : i32
        %dma_wait3A_802 = arith.constant 0 : i32
        %dma_wait3A_803 = tpu.memref_slice %arg3[%dma_wait3A_801, %dma_wait3A_802] : memref<8256x16xf32, #tpu.memory_space<hbm>> -> memref<64x16xf32, #tpu.memory_space<hbm>>
        %dma_wait3A_804 = arith.constant 0 : i32
        %dma_wait3A_805 = arith.constant 0 : i32
        %dma_wait3A_806 = tpu.memref_slice %arg3[%dma_wait3A_804, %dma_wait3A_805] : memref<8256x16xf32, #tpu.memory_space<hbm>> -> memref<64x16xf32, #tpu.memory_space<hbm>>
        tpu.wait_dma2 semaphore(%run_scoped3A : memref<!tpu.dma_semaphore, #tpu.memory_space<semaphore_mem>>) src(%arg4 : memref<64x16xf32, #tpu.memory_space<vmem>>) dst(%dma_wait3A_806 : memref<64x16xf32, #tpu.memory_space<hbm>>)
        tpu.yield
      }) : () -> ()
    } else {
    }
    %dma_wait3A = arith.constant 0 : i32
    %dma_wait3A_584 = tpu.memref_slice %arg3[%add3A_411, %dma_wait3A] : memref<8256x16xf32, #tpu.memory_space<hbm>> -> memref<64x16xf32, #tpu.memory_space<hbm>>
    %dma_wait3A_585 = arith.constant 0 : i32
    %dma_wait3A_586 = tpu.memref_slice %arg3[%add3A_411, %dma_wait3A_585] : memref<8256x16xf32, #tpu.memory_space<hbm>> -> memref<64x16xf32, #tpu.memory_space<hbm>>
    tpu.wait_dma2 semaphore(%arg5 : memref<!tpu.dma_semaphore, #tpu.memory_space<semaphore_mem>>) src(%arg4 : memref<64x16xf32, #tpu.memory_space<vmem>>) dst(%dma_wait3A_586 : memref<64x16xf32, #tpu.memory_space<hbm>>)
    %dma_wait3A_587 = arith.constant 0 : i32
    %dma_wait3A_588 = tpu.memref_slice %arg3[%add3A_452, %dma_wait3A_587] : memref<8256x16xf32, #tpu.memory_space<hbm>> -> memref<64x16xf32, #tpu.memory_space<hbm>>
    %dma_wait3A_589 = arith.constant 0 : i32
    %dma_wait3A_590 = tpu.memref_slice %arg3[%add3A_452, %dma_wait3A_589] : memref<8256x16xf32, #tpu.memory_space<hbm>> -> memref<64x16xf32, #tpu.memory_space<hbm>>
    tpu.wait_dma2 semaphore(%arg5 : memref<!tpu.dma_semaphore, #tpu.memory_space<semaphore_mem>>) src(%arg4 : memref<64x16xf32, #tpu.memory_space<vmem>>) dst(%dma_wait3A_590 : memref<64x16xf32, #tpu.memory_space<hbm>>)
    %dma_wait3A_591 = arith.constant 0 : i32
    %dma_wait3A_592 = tpu.memref_slice %arg3[%add3A_494, %dma_wait3A_591] : memref<8256x16xf32, #tpu.memory_space<hbm>> -> memref<64x16xf32, #tpu.memory_space<hbm>>
    %dma_wait3A_593 = arith.constant 0 : i32
    %dma_wait3A_594 = tpu.memref_slice %arg3[%add3A_494, %dma_wait3A_593] : memref<8256x16xf32, #tpu.memory_space<hbm>> -> memref<64x16xf32, #tpu.memory_space<hbm>>
    tpu.wait_dma2 semaphore(%arg5 : memref<!tpu.dma_semaphore, #tpu.memory_space<semaphore_mem>>) src(%arg4 : memref<64x16xf32, #tpu.memory_space<vmem>>) dst(%dma_wait3A_594 : memref<64x16xf32, #tpu.memory_space<hbm>>)
    %dma_wait3A_595 = arith.constant 0 : i32
    %dma_wait3A_596 = tpu.memref_slice %arg3[%add3A_536, %dma_wait3A_595] : memref<8256x16xf32, #tpu.memory_space<hbm>> -> memref<64x16xf32, #tpu.memory_space<hbm>>
    %dma_wait3A_597 = arith.constant 0 : i32
    %dma_wait3A_598 = tpu.memref_slice %arg3[%add3A_536, %dma_wait3A_597] : memref<8256x16xf32, #tpu.memory_space<hbm>> -> memref<64x16xf32, #tpu.memory_space<hbm>>
    tpu.wait_dma2 semaphore(%arg5 : memref<!tpu.dma_semaphore, #tpu.memory_space<semaphore_mem>>) src(%arg4 : memref<64x16xf32, #tpu.memory_space<vmem>>) dst(%dma_wait3A_598 : memref<64x16xf32, #tpu.memory_space<hbm>>)
    %dma_wait3A_599 = arith.constant 0 : i32
    %dma_wait3A_600 = tpu.memref_slice %arg3[%min3A_549, %dma_wait3A_599] : memref<8256x16xf32, #tpu.memory_space<hbm>> -> memref<64x16xf32, #tpu.memory_space<hbm>>
    %dma_wait3A_601 = arith.constant 0 : i32
    %dma_wait3A_602 = tpu.memref_slice %arg3[%min3A_549, %dma_wait3A_601] : memref<8256x16xf32, #tpu.memory_space<hbm>> -> memref<64x16xf32, #tpu.memory_space<hbm>>
    tpu.wait_dma2 semaphore(%arg5 : memref<!tpu.dma_semaphore, #tpu.memory_space<semaphore_mem>>) src(%arg4 : memref<64x16xf32, #tpu.memory_space<vmem>>) dst(%dma_wait3A_602 : memref<64x16xf32, #tpu.memory_space<hbm>>)
    %dma_wait3A_603 = arith.constant 0 : i32
    %dma_wait3A_604 = tpu.memref_slice %arg3[%min3A_563, %dma_wait3A_603] : memref<8256x16xf32, #tpu.memory_space<hbm>> -> memref<64x16xf32, #tpu.memory_space<hbm>>
    %dma_wait3A_605 = arith.constant 0 : i32
    %dma_wait3A_606 = tpu.memref_slice %arg3[%min3A_563, %dma_wait3A_605] : memref<8256x16xf32, #tpu.memory_space<hbm>> -> memref<64x16xf32, #tpu.memory_space<hbm>>
    tpu.wait_dma2 semaphore(%arg5 : memref<!tpu.dma_semaphore, #tpu.memory_space<semaphore_mem>>) src(%arg4 : memref<64x16xf32, #tpu.memory_space<vmem>>) dst(%dma_wait3A_606 : memref<64x16xf32, #tpu.memory_space<hbm>>)
    %dma_wait3A_607 = arith.constant 0 : i32
    %dma_wait3A_608 = tpu.memref_slice %arg3[%min3A_577, %dma_wait3A_607] : memref<8256x16xf32, #tpu.memory_space<hbm>> -> memref<64x16xf32, #tpu.memory_space<hbm>>
    %dma_wait3A_609 = arith.constant 0 : i32
    %dma_wait3A_610 = tpu.memref_slice %arg3[%min3A_577, %dma_wait3A_609] : memref<8256x16xf32, #tpu.memory_space<hbm>> -> memref<64x16xf32, #tpu.memory_space<hbm>>
    tpu.wait_dma2 semaphore(%arg5 : memref<!tpu.dma_semaphore, #tpu.memory_space<semaphore_mem>>) src(%arg4 : memref<64x16xf32, #tpu.memory_space<vmem>>) dst(%dma_wait3A_610 : memref<64x16xf32, #tpu.memory_space<hbm>>)
    %barrier3A = arith.constant 0 : index
    tpu.barrier barrier_id(%barrier3A)
    %mul3A_611 = arith.constant 4 : i32
    %mul3A_612 = arith.muli %arg1, %mul3A_611 : i32
    %add3A_613 = arith.constant 0 : i32
    %add3A_614 = arith.addi %mul3A_612, %add3A_613 : i32
    %mul3A_615 = arith.constant 64 : i32
    %mul3A_616 = arith.muli %add3A_614, %mul3A_615 : i32
    %mul3A_617 = arith.constant 127 : i32
    %mul3A_618 = arith.muli %mul3A_617, %add3A_614 : i32
    %add3A_619 = arith.constant 64 : i32
    %add3A_620 = arith.addi %add3A_619, %mul3A_618 : i32
    %sub3A_621 = arith.constant 1 : i32
    %sub3A_622 = arith.subi %add3A_614, %sub3A_621 : i32
    %mul3A_623 = arith.muli %add3A_614, %sub3A_622 : i32
    %jit3A_624 = arith.constant 2 : i32
    %div3A_625 = arith.divsi %mul3A_623, %jit3A_624 : i32
    %sign3A_626 = arith.constant 0 : i32
    %sign3A_627 = arith.cmpi sgt, %mul3A_623, %sign3A_626 : i32
    %sign3A_628 = arith.extui %sign3A_627 : i1 to i32
    %sign3A_629 = arith.constant 0 : i32
    %sign3A_630 = arith.cmpi slt, %mul3A_623, %sign3A_629 : i32
    %sign3A_631 = arith.extui %sign3A_630 : i1 to i32
    %sign3A_632 = arith.subi %sign3A_628, %sign3A_631 : i32
    %sign3A_633 = arith.constant 0 : i32
    %sign3A_634 = arith.cmpi sgt, %jit3A_624, %sign3A_633 : i32
    %sign3A_635 = arith.extui %sign3A_634 : i1 to i32
    %sign3A_636 = arith.constant 0 : i32
    %sign3A_637 = arith.cmpi slt, %jit3A_624, %sign3A_636 : i32
    %sign3A_638 = arith.extui %sign3A_637 : i1 to i32
    %sign3A_639 = arith.subi %sign3A_635, %sign3A_638 : i32
    %ne3A_640 = arith.cmpi ne, %sign3A_632, %sign3A_639 : i32
    %rem3A_641 = arith.remsi %mul3A_623, %jit3A_624 : i32
    %ne3A_642 = arith.constant 0 : i32
    %ne3A_643 = arith.cmpi ne, %rem3A_641, %ne3A_642 : i32
    %and3A_644 = arith.andi %ne3A_640, %ne3A_643 : i1
    %sub3A_645 = arith.constant 1 : i32
    %sub3A_646 = arith.subi %div3A_625, %sub3A_645 : i32
    %select_n3A_647 = arith.select %and3A_644, %sub3A_646, %div3A_625 : i32
    %sub3A_648 = arith.subi %add3A_620, %select_n3A_647 : i32
    %dma_start3A_649 = arith.constant 0 : i32
    %dma_start3A_650 = tpu.memref_slice %arg3[%sub3A_648, %dma_start3A_649] : memref<8256x16xf32, #tpu.memory_space<hbm>> -> memref<64x16xf32, #tpu.memory_space<hbm>>
    %dma_start3A_651 = arith.constant 0 : i32
    %dma_start3A_652 = tpu.memref_slice %arg2[%mul3A_616, %dma_start3A_651] : memref<4096x16xf32, #tpu.memory_space<hbm>> -> memref<64x16xf32, #tpu.memory_space<hbm>>
    tpu.enqueue_dma source(%dma_start3A_652 : memref<64x16xf32, #tpu.memory_space<hbm>>) target(%dma_start3A_650 : memref<64x16xf32, #tpu.memory_space<hbm>>) target_semaphore(%arg5 : memref<!tpu.dma_semaphore, #tpu.memory_space<semaphore_mem>>)
    %mul3A_653 = arith.constant 4 : i32
    %mul3A_654 = arith.muli %arg1, %mul3A_653 : i32
    %add3A_655 = arith.constant 1 : i32
    %add3A_656 = arith.addi %mul3A_654, %add3A_655 : i32
    %mul3A_657 = arith.constant 64 : i32
    %mul3A_658 = arith.muli %add3A_656, %mul3A_657 : i32
    %mul3A_659 = arith.constant 127 : i32
    %mul3A_660 = arith.muli %mul3A_659, %add3A_656 : i32
    %add3A_661 = arith.constant 64 : i32
    %add3A_662 = arith.addi %add3A_661, %mul3A_660 : i32
    %sub3A_663 = arith.constant 1 : i32
    %sub3A_664 = arith.subi %add3A_656, %sub3A_663 : i32
    %mul3A_665 = arith.muli %add3A_656, %sub3A_664 : i32
    %jit3A_666 = arith.constant 2 : i32
    %div3A_667 = arith.divsi %mul3A_665, %jit3A_666 : i32
    %sign3A_668 = arith.constant 0 : i32
    %sign3A_669 = arith.cmpi sgt, %mul3A_665, %sign3A_668 : i32
    %sign3A_670 = arith.extui %sign3A_669 : i1 to i32
    %sign3A_671 = arith.constant 0 : i32
    %sign3A_672 = arith.cmpi slt, %mul3A_665, %sign3A_671 : i32
    %sign3A_673 = arith.extui %sign3A_672 : i1 to i32
    %sign3A_674 = arith.subi %sign3A_670, %sign3A_673 : i32
    %sign3A_675 = arith.constant 0 : i32
    %sign3A_676 = arith.cmpi sgt, %jit3A_666, %sign3A_675 : i32
    %sign3A_677 = arith.extui %sign3A_676 : i1 to i32
    %sign3A_678 = arith.constant 0 : i32
    %sign3A_679 = arith.cmpi slt, %jit3A_666, %sign3A_678 : i32
    %sign3A_680 = arith.extui %sign3A_679 : i1 to i32
    %sign3A_681 = arith.subi %sign3A_677, %sign3A_680 : i32
    %ne3A_682 = arith.cmpi ne, %sign3A_674, %sign3A_681 : i32
    %rem3A_683 = arith.remsi %mul3A_665, %jit3A_666 : i32
    %ne3A_684 = arith.constant 0 : i32
    %ne3A_685 = arith.cmpi ne, %rem3A_683, %ne3A_684 : i32
    %and3A_686 = arith.andi %ne3A_682, %ne3A_685 : i1
    %sub3A_687 = arith.constant 1 : i32
    %sub3A_688 = arith.subi %div3A_667, %sub3A_687 : i32
    %select_n3A_689 = arith.select %and3A_686, %sub3A_688, %div3A_667 : i32
    %sub3A_690 = arith.subi %add3A_662, %select_n3A_689 : i32
    %dma_start3A_691 = arith.constant 0 : i32
    %dma_start3A_692 = tpu.memref_slice %arg3[%sub3A_690, %dma_start3A_691] : memref<8256x16xf32, #tpu.memory_space<hbm>> -> memref<64x16xf32, #tpu.memory_space<hbm>>
    %dma_start3A_693 = arith.constant 0 : i32
    %dma_start3A_694 = tpu.memref_slice %arg2[%mul3A_658, %dma_start3A_693] : memref<4096x16xf32, #tpu.memory_space<hbm>> -> memref<64x16xf32, #tpu.memory_space<hbm>>
    tpu.enqueue_dma source(%dma_start3A_694 : memref<64x16xf32, #tpu.memory_space<hbm>>) target(%dma_start3A_692 : memref<64x16xf32, #tpu.memory_space<hbm>>) target_semaphore(%arg5 : memref<!tpu.dma_semaphore, #tpu.memory_space<semaphore_mem>>)
    %mul3A_695 = arith.constant 4 : i32
    %mul3A_696 = arith.muli %arg1, %mul3A_695 : i32
    %add3A_697 = arith.constant 2 : i32
    %add3A_698 = arith.addi %mul3A_696, %add3A_697 : i32
    %mul3A_699 = arith.constant 64 : i32
    %mul3A_700 = arith.muli %add3A_698, %mul3A_699 : i32
    %mul3A_701 = arith.constant 127 : i32
    %mul3A_702 = arith.muli %mul3A_701, %add3A_698 : i32
    %add3A_703 = arith.constant 64 : i32
    %add3A_704 = arith.addi %add3A_703, %mul3A_702 : i32
    %sub3A_705 = arith.constant 1 : i32
    %sub3A_706 = arith.subi %add3A_698, %sub3A_705 : i32
    %mul3A_707 = arith.muli %add3A_698, %sub3A_706 : i32
    %jit3A_708 = arith.constant 2 : i32
    %div3A_709 = arith.divsi %mul3A_707, %jit3A_708 : i32
    %sign3A_710 = arith.constant 0 : i32
    %sign3A_711 = arith.cmpi sgt, %mul3A_707, %sign3A_710 : i32
    %sign3A_712 = arith.extui %sign3A_711 : i1 to i32
    %sign3A_713 = arith.constant 0 : i32
    %sign3A_714 = arith.cmpi slt, %mul3A_707, %sign3A_713 : i32
    %sign3A_715 = arith.extui %sign3A_714 : i1 to i32
    %sign3A_716 = arith.subi %sign3A_712, %sign3A_715 : i32
    %sign3A_717 = arith.constant 0 : i32
    %sign3A_718 = arith.cmpi sgt, %jit3A_708, %sign3A_717 : i32
    %sign3A_719 = arith.extui %sign3A_718 : i1 to i32
    %sign3A_720 = arith.constant 0 : i32
    %sign3A_721 = arith.cmpi slt, %jit3A_708, %sign3A_720 : i32
    %sign3A_722 = arith.extui %sign3A_721 : i1 to i32
    %sign3A_723 = arith.subi %sign3A_719, %sign3A_722 : i32
    %ne3A_724 = arith.cmpi ne, %sign3A_716, %sign3A_723 : i32
    %rem3A_725 = arith.remsi %mul3A_707, %jit3A_708 : i32
    %ne3A_726 = arith.constant 0 : i32
    %ne3A_727 = arith.cmpi ne, %rem3A_725, %ne3A_726 : i32
    %and3A_728 = arith.andi %ne3A_724, %ne3A_727 : i1
    %sub3A_729 = arith.constant 1 : i32
    %sub3A_730 = arith.subi %div3A_709, %sub3A_729 : i32
    %select_n3A_731 = arith.select %and3A_728, %sub3A_730, %div3A_709 : i32
    %sub3A_732 = arith.subi %add3A_704, %select_n3A_731 : i32
    %dma_start3A_733 = arith.constant 0 : i32
    %dma_start3A_734 = tpu.memref_slice %arg3[%sub3A_732, %dma_start3A_733] : memref<8256x16xf32, #tpu.memory_space<hbm>> -> memref<64x16xf32, #tpu.memory_space<hbm>>
    %dma_start3A_735 = arith.constant 0 : i32
    %dma_start3A_736 = tpu.memref_slice %arg2[%mul3A_700, %dma_start3A_735] : memref<4096x16xf32, #tpu.memory_space<hbm>> -> memref<64x16xf32, #tpu.memory_space<hbm>>
    tpu.enqueue_dma source(%dma_start3A_736 : memref<64x16xf32, #tpu.memory_space<hbm>>) target(%dma_start3A_734 : memref<64x16xf32, #tpu.memory_space<hbm>>) target_semaphore(%arg5 : memref<!tpu.dma_semaphore, #tpu.memory_space<semaphore_mem>>)
    %mul3A_737 = arith.constant 4 : i32
    %mul3A_738 = arith.muli %arg1, %mul3A_737 : i32
    %add3A_739 = arith.constant 3 : i32
    %add3A_740 = arith.addi %mul3A_738, %add3A_739 : i32
    %mul3A_741 = arith.constant 64 : i32
    %mul3A_742 = arith.muli %add3A_740, %mul3A_741 : i32
    %mul3A_743 = arith.constant 127 : i32
    %mul3A_744 = arith.muli %mul3A_743, %add3A_740 : i32
    %add3A_745 = arith.constant 64 : i32
    %add3A_746 = arith.addi %add3A_745, %mul3A_744 : i32
    %sub3A_747 = arith.constant 1 : i32
    %sub3A_748 = arith.subi %add3A_740, %sub3A_747 : i32
    %mul3A_749 = arith.muli %add3A_740, %sub3A_748 : i32
    %jit3A_750 = arith.constant 2 : i32
    %div3A_751 = arith.divsi %mul3A_749, %jit3A_750 : i32
    %sign3A_752 = arith.constant 0 : i32
    %sign3A_753 = arith.cmpi sgt, %mul3A_749, %sign3A_752 : i32
    %sign3A_754 = arith.extui %sign3A_753 : i1 to i32
    %sign3A_755 = arith.constant 0 : i32
    %sign3A_756 = arith.cmpi slt, %mul3A_749, %sign3A_755 : i32
    %sign3A_757 = arith.extui %sign3A_756 : i1 to i32
    %sign3A_758 = arith.subi %sign3A_754, %sign3A_757 : i32
    %sign3A_759 = arith.constant 0 : i32
    %sign3A_760 = arith.cmpi sgt, %jit3A_750, %sign3A_759 : i32
    %sign3A_761 = arith.extui %sign3A_760 : i1 to i32
    %sign3A_762 = arith.constant 0 : i32
    %sign3A_763 = arith.cmpi slt, %jit3A_750, %sign3A_762 : i32
    %sign3A_764 = arith.extui %sign3A_763 : i1 to i32
    %sign3A_765 = arith.subi %sign3A_761, %sign3A_764 : i32
    %ne3A_766 = arith.cmpi ne, %sign3A_758, %sign3A_765 : i32
    %rem3A_767 = arith.remsi %mul3A_749, %jit3A_750 : i32
    %ne3A_768 = arith.constant 0 : i32
    %ne3A_769 = arith.cmpi ne, %rem3A_767, %ne3A_768 : i32
    %and3A_770 = arith.andi %ne3A_766, %ne3A_769 : i1
    %sub3A_771 = arith.constant 1 : i32
    %sub3A_772 = arith.subi %div3A_751, %sub3A_771 : i32
    %select_n3A_773 = arith.select %and3A_770, %sub3A_772, %div3A_751 : i32
    %sub3A_774 = arith.subi %add3A_746, %select_n3A_773 : i32
    %dma_start3A_775 = arith.constant 0 : i32
    %dma_start3A_776 = tpu.memref_slice %arg3[%sub3A_774, %dma_start3A_775] : memref<8256x16xf32, #tpu.memory_space<hbm>> -> memref<64x16xf32, #tpu.memory_space<hbm>>
    %dma_start3A_777 = arith.constant 0 : i32
    %dma_start3A_778 = tpu.memref_slice %arg2[%mul3A_742, %dma_start3A_777] : memref<4096x16xf32, #tpu.memory_space<hbm>> -> memref<64x16xf32, #tpu.memory_space<hbm>>
    tpu.enqueue_dma source(%dma_start3A_778 : memref<64x16xf32, #tpu.memory_space<hbm>>) target(%dma_start3A_776 : memref<64x16xf32, #tpu.memory_space<hbm>>) target_semaphore(%arg5 : memref<!tpu.dma_semaphore, #tpu.memory_space<semaphore_mem>>)
    %dma_wait3A_779 = arith.constant 0 : i32
    %dma_wait3A_780 = tpu.memref_slice %arg3[%sub3A_648, %dma_wait3A_779] : memref<8256x16xf32, #tpu.memory_space<hbm>> -> memref<64x16xf32, #tpu.memory_space<hbm>>
    %dma_wait3A_781 = arith.constant 0 : i32
    %dma_wait3A_782 = tpu.memref_slice %arg2[%mul3A_616, %dma_wait3A_781] : memref<4096x16xf32, #tpu.memory_space<hbm>> -> memref<64x16xf32, #tpu.memory_space<hbm>>
    tpu.wait_dma2 semaphore(%arg5 : memref<!tpu.dma_semaphore, #tpu.memory_space<semaphore_mem>>) src(%dma_wait3A_782 : memref<64x16xf32, #tpu.memory_space<hbm>>) dst(%dma_wait3A_780 : memref<64x16xf32, #tpu.memory_space<hbm>>)
    %dma_wait3A_783 = arith.constant 0 : i32
    %dma_wait3A_784 = tpu.memref_slice %arg3[%sub3A_690, %dma_wait3A_783] : memref<8256x16xf32, #tpu.memory_space<hbm>> -> memref<64x16xf32, #tpu.memory_space<hbm>>
    %dma_wait3A_785 = arith.constant 0 : i32
    %dma_wait3A_786 = tpu.memref_slice %arg2[%mul3A_658, %dma_wait3A_785] : memref<4096x16xf32, #tpu.memory_space<hbm>> -> memref<64x16xf32, #tpu.memory_space<hbm>>
    tpu.wait_dma2 semaphore(%arg5 : memref<!tpu.dma_semaphore, #tpu.memory_space<semaphore_mem>>) src(%dma_wait3A_786 : memref<64x16xf32, #tpu.memory_space<hbm>>) dst(%dma_wait3A_784 : memref<64x16xf32, #tpu.memory_space<hbm>>)
    %dma_wait3A_787 = arith.constant 0 : i32
    %dma_wait3A_788 = tpu.memref_slice %arg3[%sub3A_732, %dma_wait3A_787] : memref<8256x16xf32, #tpu.memory_space<hbm>> -> memref<64x16xf32, #tpu.memory_space<hbm>>
    %dma_wait3A_789 = arith.constant 0 : i32
    %dma_wait3A_790 = tpu.memref_slice %arg2[%mul3A_700, %dma_wait3A_789] : memref<4096x16xf32, #tpu.memory_space<hbm>> -> memref<64x16xf32, #tpu.memory_space<hbm>>
    tpu.wait_dma2 semaphore(%arg5 : memref<!tpu.dma_semaphore, #tpu.memory_space<semaphore_mem>>) src(%dma_wait3A_790 : memref<64x16xf32, #tpu.memory_space<hbm>>) dst(%dma_wait3A_788 : memref<64x16xf32, #tpu.memory_space<hbm>>)
    %dma_wait3A_791 = arith.constant 0 : i32
    %dma_wait3A_792 = tpu.memref_slice %arg3[%sub3A_774, %dma_wait3A_791] : memref<8256x16xf32, #tpu.memory_space<hbm>> -> memref<64x16xf32, #tpu.memory_space<hbm>>
    %dma_wait3A_793 = arith.constant 0 : i32
    %dma_wait3A_794 = tpu.memref_slice %arg2[%mul3A_742, %dma_wait3A_793] : memref<4096x16xf32, #tpu.memory_space<hbm>> -> memref<64x16xf32, #tpu.memory_space<hbm>>
    tpu.wait_dma2 semaphore(%arg5 : memref<!tpu.dma_semaphore, #tpu.memory_space<semaphore_mem>>) src(%dma_wait3A_794 : memref<64x16xf32, #tpu.memory_space<hbm>>) dst(%dma_wait3A_792 : memref<64x16xf32, #tpu.memory_space<hbm>>)
    return
  }
}

</mosaic_0001>

<sc_bundles>
// kernel: kernel.3.cloned.1.call-start
scs
__scs_entry_jumppad:
0x0: {  	(pc) =	sbr.rel $0x88, $3  }
0x1: {  	(tag) =	ssettag $0x0;
	lr =	simm.s32 $0x1  }
0x2: {  	[smem:$0x3FA0] =	sst lr;
	_ =	strace $0xD0000000  }
0x3: {  	_ = 	snop  }
0x4: {  	_ = 	snop  }
0x5: {  	_ = 	snop  }
0x6: {  	_ = 	snop  }
0x7: {  	_ = 	snop  }
__scs_overlays_trampoline_lowered:
0x8: {  	[smem:$0x3FAF] =	sst s0  }
0x9: {  	[smem:$0x3FB0] =	sst s1  }
0xa: {  	[smem:$0x3FB1] =	sst s2  }
0xb: {  	[smem:$0x3FB2] =	sst s3  }
0xc: {  	[smem:$0x3FB3] =	sst s4  }
0xd: {  	[smem:$0x3FB4] =	sst s5  }
0xe: {  	[smem:$0x3FB5] =	sst s6  }
0xf: {  	[smem:$0x3FB6] =	sst s7  }
0x10: {  	[smem:$0x3FB7] =	sst s8  }
0x11: {  	[smem:$0x3FB8] =	sst s9;
	s0 =	simm.s32 @!p0 $0x0  }
0x12: {  	s1 =	sld [smem:$0x3F9E];
	s0 =	simm.s32 @p0 $0x1  }
0x13: {  	[smem:$0x3FB9] =	sst s0;
	s0 =	simm.s32 @!p1 $0x0  }
0x14: {  	s2 =	sld [smem:$0x3F9D];
	s0 =	simm.s32 @p1 $0x1  }
0x15: {  	[smem:$0x3FBA] =	sst s0;
	s0 =	simm.s32 @!p2 $0x0  }
0x16: {  	s3 =	sld [smem:$0x3FDB];
	s0 =	simm.s32 @p2 $0x1  }
0x17: {  	s4 =	simm.s32 $0x1BF5;
	[smem:$0x3FBC] =	sst s0  }
0x18: {  	s0 =	sld [smem:$0x3F9F];
	_ =	swait.ge [sflag:s4], $0x0  }
0x19: {  	s7 =	sld [smem:$0x3FA0]  }
0x1a: {  	s8 =	sadd.s32 $0xFFFFE003, lr  }
0x1b: {  	s9 =	sadd.s32 $0xFFFFFEF7, lr;
	s5 =	simm.s32 $0xFFFFFFFF;
	p2 =	slt.u32 s8, $0xFFFFF086  }
0x1c: {  	p1 =	slt.u32 s9, $0xF7A;
	s5 =	simm.s32 @!p2 $0x0  }
0x1d: {  	s5 =	simm.s32 @p1 $0x1;
	p0 =	seq.s32 s7, s2  }
0x1e: {  	s7 =	smul.u32 @!p0 $0xF7A, s2;
	p2 =	seq.s32 @!p0 s5, $0x0  }
0x1f: {  	s9 =	smul.u32 $0xF7A, s1;
	s8 =	simm.s32 @!p0 $0x1BF5;
	p2 =	por !p2, p0  }
0x20: {  	[sflag:s8] =	ssyncset.s32 @!p0 $0xFFFFF086;
	s6 =	sadd.s32 @!p0 s3, s7;
	s7 =	simm.s32 @!p0 $0x108  }
0x21: {  	s3 =	sadd.s32 s3, s9;
	s6 =	sadd.s32 @!p0 $0x88, s6;
	s7 =	simm.s32 @p2 $0x1082  }
0x22: {  	[simem:s7], [sflag:s8] =	dma.local @!p0 [hbm:s6], $0xF7A  }
0x23: {  	s9 =	sor.u32 $0xD0000000, s2;
	s6 =	simm.s32 $0x108;
	_ =	swait.ge @!p0 [sflag:s8], $0x0  }
0x24: {  	s3 =	sadd.s32 $0x88, s3;
	s6 =	simm.s32 @!p1 $0x1082;
	[sflag:s4] =	ssyncset.s32 $0xFFFFF086  }
0x25: {  	[simem:s6], [sflag:s4] =	dma.local [hbm:s3], $0xF7A  }
0x26: {  	[smem:$0x3FA0] =	sst s1;
	(tag) =	ssettag s2;
	_ =	strace s9  }
0x27: {  	s1 =	sld [smem:$0x3FB0]  }
0x28: {  	s2 =	sld [smem:$0x3FB1]  }
0x29: {  	s4 =	sld [smem:$0x3FB3]  }
0x2a: {  	p0 =	seq.s32 s5, $0x0;
	s5 =	sld [smem:$0x3FB4]  }
0x2b: {  	s6 =	sld [smem:$0x3FB5]  }
0x2c: {  	s7 =	sld [smem:$0x3FB6]  }
0x2d: {  	s3 =	simm.s32 $0x108;
	s8 =	sld [smem:$0x3FB7]  }
0x2e: {  	s3 =	simm.s32 @!p0 $0x1082;
	s9 =	sld [smem:$0x3FB8]  }
0x2f: {  	lr =	sadd.s32 s0, s3;
	s0 =	sld [smem:$0x3FAF]  }
0x30: {  	s3 =	sld [smem:$0x3FB2]  }
0x31: {  	[smem:$0x3FBB] =	sst s10  }
0x32: {  	s10 =	sld [smem:$0x3FB9];
	_ =	sdelay $0x3  }
0x33: {  	p0 =	seq.s32 s10, $0x1;
	s10 =	sld [smem:$0x3FBB];
	_ =	sdelay $0x3  }
0x34: {  	[smem:$0x3FBB] =	sst s10  }
0x35: {  	s10 =	sld [smem:$0x3FBA];
	_ =	sdelay $0x3  }
0x36: {  	p1 =	seq.s32 s10, $0x1;
	s10 =	sld [smem:$0x3FBB];
	_ =	sdelay $0x3  }
0x37: {  	[smem:$0x3FBB] =	sst s10  }
0x38: {  	s10 =	sld [smem:$0x3FBC]  }
0x39: {  	_ = 	snop;
	(pc) =	sbr.ind lr, $3  }
0x3a: {  	_ = 	snop  }
0x3b: {  	_ = 	snop  }
0x3c: {  	p2 =	seq.s32 s10, $0x1;
	s10 =	sld [smem:$0x3FBB]  }
0x3d: {  	_ =	shalt  }
0x3e: {  	_ =	shalt  }
0x3f: {  	_ =	shalt  }
0x40: {  	_ =	shalt  }
0x41: {  	_ =	shalt  }
0x42: {  	_ =	shalt  }
0x43: {  	_ =	shalt  }
0x44: {  	_ =	shalt  }
0x45: {  	_ =	shalt  }
0x46: {  	_ =	shalt  }
0x47: {  	_ =	shalt  }
0x48: {  	_ =	shalt  }
0x49: {  	_ =	shalt  }
0x4a: {  	_ =	shalt  }
0x4b: {  	_ =	shalt  }
0x4c: {  	_ =	shalt  }
0x4d: {  	_ =	shalt  }
0x4e: {  	_ =	shalt  }
0x4f: {  	_ =	shalt  }
0x50: {  	_ =	shalt  }
0x51: {  	_ =	shalt  }
0x52: {  	_ =	shalt  }
0x53: {  	_ =	shalt  }
0x54: {  	_ =	shalt  }
0x55: {  	_ =	shalt  }
0x56: {  	_ =	shalt  }
0x57: {  	_ =	shalt  }
0x58: {  	_ =	shalt  }
0x59: {  	_ =	shalt  }
0x5a: {  	_ =	shalt  }
0x5b: {  	_ =	shalt  }
0x5c: {  	_ =	shalt  }
0x5d: {  	_ =	shalt  }
0x5e: {  	_ =	shalt  }
0x5f: {  	_ =	shalt  }
0x60: {  	_ =	shalt  }
0x61: {  	_ =	shalt  }
0x62: {  	_ =	shalt  }
0x63: {  	_ =	shalt  }
0x64: {  	_ =	shalt  }
0x65: {  	_ =	shalt  }
0x66: {  	_ =	shalt  }
0x67: {  	_ =	shalt  }
0x68: {  	_ =	shalt  }
0x69: {  	_ =	shalt  }
0x6a: {  	_ =	shalt  }
0x6b: {  	_ =	shalt  }
0x6c: {  	_ =	shalt  }
0x6d: {  	_ =	shalt  }
0x6e: {  	_ =	shalt  }
0x6f: {  	_ =	shalt  }
0x70: {  	_ =	shalt  }
0x71: {  	_ =	shalt  }
0x72: {  	_ =	shalt  }
0x73: {  	_ =	shalt  }
0x74: {  	_ =	shalt  }
0x75: {  	_ =	shalt  }
0x76: {  	_ =	shalt  }
0x77: {  	_ =	shalt  }
0x78: {  	_ =	shalt  }
0x79: {  	_ =	shalt  }
0x7a: {  	_ =	shalt  }
0x7b: {  	_ =	shalt  }
0x7c: {  	_ =	shalt  }
0x7d: {  	_ =	shalt  }
0x7e: {  	_ =	shalt  }
0x7f: {  	_ =	shalt  }
0x80: {  	_ =	shalt  }
0x81: {  	_ =	shalt  }
0x82: {  	_ =	shalt  }
0x83: {  	_ =	shalt  }
0x84: {  	_ =	shalt  }
0x85: {  	_ =	shalt  }
0x86: {  	_ =	shalt  }
0x87: {  	_ =	shalt  }
.Lfunc_end0:
.L_simem_size_0:
called_computation_lowered:
.L_overlay_start_0:
0x88: {  	s0 =	sld [smem:$0x3FD9]  }
0x89: {  	s1 =	sld [smem:$0x3FFE];
	_ =	sdelay $0x3  }
0x8a: {  	s0 =	sadd.s32 s1, s0  }
0x8b: {  	[smem:$0x3FC7] =	sst s0  }
0x8c: {  	_ = 	snop  }
0x8d: {  	s0 =	sld [smem:$0x3FD0];
	(tm) =	ssettm $0x1  }
0x8e: {  	s16 =	sld [smem:$0x3FFB];
	_ =	sdelay $0x3  }
0x8f: {  	_ =	strace s16  }
0x90: {  	s1 =	sld [smem:$0x3FFC];
	_ =	sdelay $0x3  }
0x91: {  	_ =	strace s1  }
0x92: {  	s1 =	sld [smem:$0x3FFD];
	_ =	sdelay $0x3  }
0x93: {  	_ =	strace s1  }
0x94: {  	_ =	strace $0x8FFFFFFF  }
0x95: {  	s17 =	sld [smem:$0x3FDB];
	_ =	sdelay $0x1  }
0x96: {  	s2 =	simm.s32 $_scs_section_size  }
0x97: {  	s3 =	simm.s32 $_size__tile_overlayer_lowered;
	s4 =	simm.s32 $_tile_overlayer_lowered  }
0x98: {  	s20 =	simm.s32 $0x1BFF;
	s19 =	sshll.u32 s4, $0x1;
	s1 =	sadd.s32 s2, s17  }
0x99: {  	s5 =	simm.s32 $0x0;
	s18 =	sshll.u32 s3, $0x1;
	s3 =	sadd.s32 s19, s1  }
0x9a: {  	[timem:s5], [sflag:s20] =	dma.local [hbm:s3], s18  }
0x9b: {  	_ =	swait.ge [sflag:s20], s18  }
0x9c: {  	s2 =	ssub.s32 $0x0, s18;
	[sflag:s20] =	ssyncset.done $0x0  }
0x9d: {  	[sflag:s20] =	ssyncadd.s32 s2;
	_ =	sdelay $0x1  }
0x9e: {  	s21 =	simm.s32 $0x1B8B  }
0x9f: {  	_ =	swait.ge [sflag:s21], $0x1  }
0xa0: {  	[sflag:s21] =	ssyncset.done $0x0  }
0xa1: {  	s23 =	simm.s32 $0x1B8E;
	s22 =	sld [smem:$0x3FFE];
	[sflag:s21] =	ssyncadd.s32 $0xFFFFFFFF  }
0xa2: {  	s24 =	simm.s32 $execute0_lowered;
	[smem:$0x3FD2] =	sst s23  }
0xa3: {  	s3 =	sshll.u32 s24, $0x1;
	_ =	strace $0x80000046;
	[dreg:$0x1] =	wrdreg $0xFFFFFFFF  }
0xa4: {  	s25 =	simm.s32 $_size_execute0_lowered;
	s1 =	sadd.s32 s1, s3;
	[dreg:$0x0] =	wrdreg $0x0  }
0xa5: {  	s3 =	sshll.u32 s25, $0x1;
	[dreg:$0x2] =	wrdreg s1  }
0xa6: {  	[dreg:$0x3] =	wrdreg s3  }
0xa7: {  	[dreg:$0x4] =	wrdreg $0xC0  }
0xa8: {  	_ =	task [dreg:s5], $0x5FFFF  }
0xa9: {  	[dreg:$0x1] =	wrdreg $0xFFFFFFFF  }
0xaa: {  	[dreg:$0x0] =	wrdreg $0x60  }
0xab: {  	[dreg:$0x2] =	wrdreg s22  }
0xac: {  	[dreg:$0x3] =	wrdreg s0  }
0xad: {  	[dreg:$0x4] =	wrdreg $0x9  }
0xae: {  	_ =	task.clear_ibuf [dreg:s5], $0x5FFFF;
	_ =	strace $0x90000046  }
0xaf: {  	s26 =	simm.s32 $0x9;
	_ =	strace $0x80000048  }
0xb0: {  	_ =	swait.ge [sflag:s26], $0x1  }
0xb1: {  	[sflag:s26] =	ssyncadd.s32 $0xFFFFFFFF  }
0xb2: {  	_ =	strace $0x90000048  }
0xb3: {  	_ =	sfence  }
0xb4: {  	s28 =	sld [smem:$0x0];
	_ =	sdelay $0x1  }
0xb5: {  	s29 =	srdreg.scid  }
0xb6: {  	s30 =	sshll.u32 s29, $0xD;
	s31 =	sshrl.u32 s29, $0x2  }
0xb7: {  	s2 =	sand.u32 $0x4000, s30;
	s1 =	sand.u32 $0x1, s29;
	s0 =	sadd.s32 s31, s28  }
0xb8: {  	s1 =	sor.u32 s2, s1;
	s0 =	sshll.u32 s0, $0x11  }
0xb9: {  	s0 =	sor.u32 s0, s1  }
0xba: {  	s0 =	sadd.s32 $0x8F2B, s0  }
0xbb: {  	[sflag:s0] =	ssyncadd.remote.s32 $0x1  }
0xbc: {  	_ =	sfence.sel $0xFFFF  }
0xbd: {  	[dreg:$0x0] =	wrdreg $0xFFFFFFFF;
	(pc) =	sbr.abs _section_cstart, $3  }
0xbe: {  	[dreg:$0x1] =	wrdreg $0xFFFFFFFF  }
0xbf: {  	_ =	task.clear_ibuf [dreg:s5], $0x2FFFF;
	_ =	strace $0x9FFFFFFF  }
0xc0: {  	(tm) =	ssettm $0x7FFFFFFF  }
0xc1: {  	_ =	shalt  }
tec
execute0_lowered:
.L_overlay_start_1:
0x0: {  	(tag) =	ssettag $0x1  }
0x1: {  	s2 =	rddreg [dreg:$0x0]  }
0x2: {  	s1 =	rddreg [dreg:$0x1];
	s4 =	simm.s32 $0x0  }
0x3: {  	v0 =	vimm.f32 $0.0e+00;
	[smem:$0x7FF] =	sst s4  }
0x4: {  	s0 =	rddreg [dreg:$0x2];
	_ =	strace $0x80000047;
	[tilespmem:$0x0] =	vst v0  }
0x5: {  	[tilespmem:$0x10] =	vst v0  }
0x6: {  	[tilespmem:$0x20] =	vst v0  }
0x7: {  	[tilespmem:$0x30] =	vst v0  }
0x8: {  	[tilespmem:$0x40] =	vst v0  }
0x9: {  	[tilespmem:$0x50] =	vst v0  }
0xa: {  	[tilespmem:$0x60] =	vst v0  }
0xb: {  	[tilespmem:$0x70] =	vst v0  }
0xc: {  	[tilespmem:$0x80] =	vst v0  }
0xd: {  	[tilespmem:$0x90] =	vst v0  }
0xe: {  	[tilespmem:$0xA0] =	vst v0  }
0xf: {  	[tilespmem:$0xB0] =	vst v0  }
0x10: {  	[tilespmem:$0xC0] =	vst v0  }
0x11: {  	[tilespmem:$0xD0] =	vst v0  }
0x12: {  	[tilespmem:$0xE0] =	vst v0  }
0x13: {  	[tilespmem:$0xF0] =	vst v0  }
0x14: {  	[tilespmem:$0x100] =	vst v0  }
0x15: {  	[tilespmem:$0x110] =	vst v0  }
0x16: {  	[tilespmem:$0x120] =	vst v0  }
0x17: {  	[tilespmem:$0x130] =	vst v0  }
0x18: {  	[tilespmem:$0x140] =	vst v0  }
0x19: {  	[tilespmem:$0x150] =	vst v0  }
0x1a: {  	[tilespmem:$0x160] =	vst v0  }
0x1b: {  	[tilespmem:$0x170] =	vst v0  }
0x1c: {  	[tilespmem:$0x180] =	vst v0  }
0x1d: {  	[tilespmem:$0x190] =	vst v0  }
0x1e: {  	[tilespmem:$0x1A0] =	vst v0  }
0x1f: {  	[tilespmem:$0x1B0] =	vst v0  }
0x20: {  	[tilespmem:$0x1C0] =	vst v0  }
0x21: {  	[tilespmem:$0x1D0] =	vst v0  }
0x22: {  	[tilespmem:$0x1E0] =	vst v0  }
0x23: {  	[tilespmem:$0x1F0] =	vst v0  }
0x24: {  	[tilespmem:$0x200] =	vst v0  }
0x25: {  	[tilespmem:$0x210] =	vst v0  }
0x26: {  	[tilespmem:$0x220] =	vst v0  }
0x27: {  	[tilespmem:$0x230] =	vst v0  }
0x28: {  	[tilespmem:$0x240] =	vst v0  }
0x29: {  	[tilespmem:$0x250] =	vst v0  }
0x2a: {  	[tilespmem:$0x260] =	vst v0  }
0x2b: {  	[tilespmem:$0x270] =	vst v0  }
0x2c: {  	[tilespmem:$0x280] =	vst v0  }
0x2d: {  	[tilespmem:$0x290] =	vst v0  }
0x2e: {  	[tilespmem:$0x2A0] =	vst v0  }
0x2f: {  	[tilespmem:$0x2B0] =	vst v0  }
0x30: {  	[tilespmem:$0x2C0] =	vst v0  }
0x31: {  	[tilespmem:$0x2D0] =	vst v0  }
0x32: {  	[tilespmem:$0x2E0] =	vst v0  }
0x33: {  	[tilespmem:$0x2F0] =	vst v0  }
0x34: {  	[tilespmem:$0x300] =	vst v0  }
0x35: {  	[tilespmem:$0x310] =	vst v0  }
0x36: {  	s3 =	stileid.u32;
	[tilespmem:$0x320] =	vst v0  }
0x37: {  	s5 =	sshll.u32 s3, $0x2;
	[tilespmem:$0x330] =	vst v0  }
0x38: {  	s6 =	sadd.s32 $0xFFFFFFFF, s5;
	[tilespmem:$0x340] =	vst v0  }
0x39: {  	[tilespmem:$0x350] =	vst v0;
	s6 =	smul.u32 s5, s6  }
0x3a: {  	s7 =	smul.u32 $0x1FC, s3;
	[tilespmem:$0x360] =	vst v0  }
0x3b: {  	[tilespmem:$0x370] =	vst v0;
	s6 =	sshra.s32 s6, $0x1  }
0x3c: {  	s16 =	smul.u32 $0xC0, s3;
	[tilespmem:$0x380] =	vst v0;
	s6 =	ssub.s32 s7, s6;
	s7 =	sor.u32 $0x1, s5  }
0x3d: {  	[tilespmem:$0x390] =	vst v0;
	s9 =	smul.u32 $0x7F, s7  }
0x3e: {  	[tilespmem:$0x3A0] =	vst v0;
	s8 =	sadd.s32 $0x40, s6;
	s10 =	smul.u32 s5, s7;
	s5 =	sor.u32 $0x2, s5  }
0x3f: {  	[tilespmem:$0x3B0] =	vst v0;
	s31 =	smin.u32 s16, $0x7E0;
	s6 =	sshll.u32 s8, $0x4;
	s12 =	smul.u32 $0x7F, s5  }
0x40: {  	[tilespmem:$0x3C0] =	vst v0;
	s19 =	smin.u32 s16, $0x7A0;
	s13 =	smul.u32 s7, s5;
	s6 =	sadd.s32 $0x400, s6  }
0x41: {  	[tilespmem:$0x3D0] =	vst v0;
	s10 =	sshrl.u32 s10, $0x1;
	s11 =	sshrl.u32 s6, $0x3;
	s6 =	sshllo.u32 s3, $0x2  }
0x42: {  	[tilespmem:$0x3E0] =	vst v0;
	s9 =	ssub.s32 s9, s10;
	s22 =	sshrl.u32 s13, $0x1;
	s21 =	smul.u32 s5, s6  }
0x43: {  	[tilespmem:$0x3F0] =	vst v0;
	s14 =	sadd.s32 s1, s11;
	s10 =	sadd.s32 $0x40, s9;
	s23 =	smul.u32 $0x7F, s6  }
0x44: {  	[hbm4b:s14+s4] =	stream.linear.scatter [tilespmem:s4], [sflag:$0x1], $0x400, $0x38;
	[tilespmem:$0x400] =	vst v63  }
0x45: {  	s9 =	ssub.s32 s12, s22;
	s15 =	sshll.u32 s10, $0x4;
	s24 =	sshrl.u32 s21, $0x1  }
0x46: {  	s11 =	sadd.s32 $0x40, s9;
	s15 =	sadd.s32 $0x400, s15;
	s25 =	ssub.s32 s23, s24  }
0x47: {  	s28 =	sshll.u32 s11, $0x4;
	s26 =	sshrl.u32 s15, $0x3;
	s9 =	sadd.s32 $0x40, s25  }
0x48: {  	s13 =	sadd.s32 $0x400, s28;
	s12 =	sadd.s32 s1, s26;
	s29 =	sshll.u32 s9, $0x4  }
0x49: {  	[hbm4b:s12+s4] =	stream.linear.scatter [tilespmem:s4], [sflag:$0x1], $0x400, $0x38;
	[tilespmem:$0x400] =	vst v63  }
0x4a: {  	s18 =	sshll.u32 s31, $0x1;
	s13 =	sshrl.u32 s13, $0x3;
	s15 =	sadd.s32 $0x400, s29  }
0x4b: {  	s20 =	sadd.s32 s18, s1;
	s13 =	sadd.s32 s1, s13;
	s30 =	sshrl.u32 s15, $0x3  }
0x4c: {  	[hbm4b:s13+s4] =	stream.linear.scatter [tilespmem:s4], [sflag:$0x1], $0x400, $0x38;
	[tilespmem:$0x400] =	vst v63  }
0x4d: {  	s22 =	smin.u32 s16, $0x760;
	s21 =	sshll.u32 s19, $0x1;
	s17 =	sadd.s32 s1, s30  }
0x4e: {  	[hbm4b:s17+s4] =	stream.linear.scatter [tilespmem:s4], [sflag:$0x1], $0x400, $0x38;
	[tilespmem:$0x400] =	vst v63  }
0x4f: {  	s23 =	sadd.s32 $0x3040, s20;
	s24 =	sadd.s32 s21, s1;
	s25 =	sshll.u32 s22, $0x1  }
0x50: {  	[hbm4b:s23+s4] =	stream.linear.scatter [tilespmem:s4], [sflag:$0x1], $0x400, $0x38;
	[tilespmem:$0x400] =	vst v63  }
0x51: {  	s26 =	sadd.s32 $0x30C0, s24;
	s28 =	sadd.s32 s25, s1  }
0x52: {  	[hbm4b:s26+s4] =	stream.linear.scatter [tilespmem:s4], [sflag:$0x1], $0x400, $0x38;
	[tilespmem:$0x400] =	vst v63  }
0x53: {  	p0 =	sne.s32 s3, $0x0;
	s29 =	sadd.s32 $0x3140, s28  }
0x54: {  	[hbm4b:s29+s4] =	stream.linear.scatter [tilespmem:s4], [sflag:$0x1], $0x400, $0x38;
	[tilespmem:$0x400] =	vst v63  }
0x55: {  	s4 =	simm.s32 @!p0 $0x0  }
0x56: {  	[hbm4b:s1+s4] =	stream.linear.scatter @!p0 [tilespmem:s4], [sflag:$0x2], $0x400, $0x38;
	[tilespmem:$0x400] =	vst v63  }
0x57: {  	s4 =	simm.s32 @!p0 $0x2  }
0x58: {  	_ =	swait.ge @!p0 [sflag:s4], $0x400  }
0x59: {  	[sflag:s4] =	ssyncset.done @!p0 $0x0  }
0x5a: {  	s30 =	simm.s32 $0x1;
	[sflag:s4] =	ssyncadd.s32 @!p0 $0xFFFFFC00  }
0x5b: {  	_ =	swait.ge [sflag:s30], $0x400  }
0x5c: {  	[sflag:s30] =	ssyncset.done $0x0  }
0x5d: {  	[sflag:s30] =	ssyncadd.s32 $0xFFFFFC00  }
0x5e: {  	_ =	swait.ge [sflag:s30], $0x400  }
0x5f: {  	[sflag:s30] =	ssyncset.done $0x0  }
0x60: {  	[sflag:s30] =	ssyncadd.s32 $0xFFFFFC00  }
0x61: {  	_ =	swait.ge [sflag:s30], $0x400  }
0x62: {  	[sflag:s30] =	ssyncset.done $0x0  }
0x63: {  	[sflag:s30] =	ssyncadd.s32 $0xFFFFFC00  }
0x64: {  	_ =	swait.ge [sflag:s30], $0x400  }
0x65: {  	s2 =	sadd.s32 $0x400, s2;
	[sflag:s30] =	ssyncset.done $0x0  }
0x66: {  	s31 =	sshll.u32 s3, $0x9;
	s8 =	sshll.u32 s8, $0x1;
	[sflag:s30] =	ssyncadd.s32 $0xFFFFFC00  }
0x67: {  	s7 =	sshll.u32 s7, $0x7;
	s8 =	sand.u32 $0x1FFFFFFC, s8;
	_ =	swait.ge [sflag:s30], $0x400  }
0x68: {  	s7 =	sadd.s32 s2, s7;
	s8 =	sadd.s32 s1, s8;
	[sflag:s30] =	ssyncset.done $0x0  }
0x69: {  	s3 =	sshll.u32 s3, $0x6;
	s5 =	sshll.u32 s5, $0x7;
	[sflag:s30] =	ssyncadd.s32 $0xFFFFFC00  }
0x6a: {  	s6 =	sshll.u32 s6, $0x7;
	s3 =	sor.u32 $0x1C01, s3;
	_ =	swait.ge [sflag:s30], $0x400  }
0x6b: {  	s10 =	sshll.u32 s10, $0x1;
	s5 =	sadd.s32 s2, s5;
	[sflag:s30] =	ssyncset.done $0x0  }
0x6c: {  	s10 =	sand.u32 $0x1FFFFFFE, s10;
	s11 =	sshll.u32 s11, $0x1;
	[sflag:s30] =	ssyncadd.s32 $0xFFFFFC00  }
0x6d: {  	s10 =	sadd.s32 s1, s10;
	s11 =	sand.u32 $0x1FFFFFFE, s11;
	_ =	swait.ge [sflag:s30], $0x400  }
0x6e: {  	s11 =	sadd.s32 s1, s11;
	s9 =	sshll.u32 s9, $0x1;
	[sflag:s30] =	ssyncset.done $0x0  }
0x6f: {  	s12 =	sadd.s32 s2, s31;
	s9 =	sand.u32 $0x1FFFFFFC, s9;
	[sflag:s30] =	ssyncadd.s32 $0xFFFFFC00  }
0x70: {  	s2 =	sadd.s32 s2, s6;
	s1 =	sadd.s32 s1, s9;
	[bflag:$0x0] =	sbarrier.arrive $0xFFFF  }
0x71: {  	[hbm:s8], [sflag:s3] =	dma.local [hbm:s12], $0x80  }
0x72: {  	[hbm:s10], [sflag:s3] =	dma.local [hbm:s7], $0x80  }
0x73: {  	[hbm:s11], [sflag:s3] =	dma.local [hbm:s5], $0x80  }
0x74: {  	[hbm:s1], [sflag:s3] =	dma.local [hbm:s2], $0x80  }
0x75: {  	_ =	swait.ge [sflag:s30], $0x80  }
0x76: {  	[sflag:s30] =	ssyncset.done $0x0  }
0x77: {  	[sflag:s30] =	ssyncadd.s32 $0xFFFFFF80  }
0x78: {  	_ =	swait.ge [sflag:s30], $0x80  }
0x79: {  	[sflag:s30] =	ssyncset.done $0x0  }
0x7a: {  	[sflag:s30] =	ssyncadd.s32 $0xFFFFFF80  }
0x7b: {  	_ =	swait.ge [sflag:s30], $0x80  }
0x7c: {  	[sflag:s30] =	ssyncset.done $0x0  }
0x7d: {  	[sflag:s30] =	ssyncadd.s32 $0xFFFFFF80  }
0x7e: {  	_ =	swait.ge [sflag:s30], $0x80  }
0x7f: {  	[sflag:s30] =	ssyncset.done $0x0  }
0x80: {  	[sflag:s30] =	ssyncadd.s32 $0xFFFFFF80  }
0x81: {  	_ =	sfence.sel $0x180000  }
0x82: {  	[bflag:$0x0] =	sbarrier.arrive $0xFFFF  }
0x83: {  	_ =	strace $0x90000047  }
0x84: {  	s0 =	sadd.s32 @!p0 $0x100000, s0;
	[bflag:$0x2] =	sbarrier.arrive $0xFFFF  }
0x85: {  	[sflag:s0] =	ssyncadd.tile.s32 @!p0 $0x1;
	_ =	shalt  }
.Lfunc_end2:
_tile_overlayer_lowered:
.L_overlay_start_2:
0x86: {  	(tag) =	ssettag $0x2  }
0x87: {  	s0 =	rddreg [dreg:$0x0];
	s2 =	stileid.u32  }
0x88: {  	s1 =	rddreg [dreg:$0x1];
	p0 =	sne.s32 s2, $0x0  }
0x89: {  	s3 =	rddreg [dreg:$0x2];
	[bflag:$0x3] =	sbarrier.arrive $0xFFFF;
	s2 =	simm.s32 @!p0 $0x1C02  }
0x8a: {  	[timem:s3], [sflag:s2] =	dma.local @!p0 [hbm:s0], s1  }
0x8b: {  	s0 =	simm.s32 @!p0 $0x2  }
0x8c: {  	_ =	swait.ge @!p0 [sflag:s0], s1  }
0x8d: {  	s1 =	ssub.s32 @!p0 $0x0, s1;
	[sflag:s0] =	ssyncset.done @!p0 $0x0  }
0x8e: {  	[sflag:s0] =	ssyncadd.s32 @!p0 s1  }
0x8f: {  	[bflag:$0x3] =	sbarrier.arrive $0xFFFF  }
0x90: {  	_ =	shalt  }

</sc_bundles>
